<compile_context>
chip_gen: v7x
topology: tpu7x:2x2x1
jax: 0.10.2.dev20260603
libtpu: 0.0.44.dev20260713+nightly
codegen_flags: <defaults>
</compile_context>

<pallas_src>
import functools

import jax
import jax.numpy as jnp
from jax import lax
from jax.experimental import pallas as pl
from jax.experimental.pallas import tpu as pltpu
from jax.experimental.pallas import tpu_sc as plsc

_KS = 25
_CH = 128


def _decomp_kernel(x_ref, cs_ref, scan_ref):
    x = x_ref[0]
    C, T = x.shape
    npad_l = _KS // 2
    n_in = T + 2 * npad_l
    nch = (n_in + _CH - 1) // _CH
    npad_r = nch * _CH - T - npad_l

    zl = jnp.zeros((C, npad_l), jnp.float32)
    zr = jnp.zeros((C, npad_r), jnp.float32)
    xp = jnp.concatenate([zl, x, zr], axis=1)

    cols = [xp[:, c * _CH:(c + 1) * _CH].T for c in range(nch)]
    scan_ref[...] = jnp.concatenate(cols, axis=1)

    def body(r, carry):
        nxt = carry + scan_ref[pl.ds(r, 1), :]
        scan_ref[pl.ds(r, 1), :] = nxt
        return nxt

    totals = jax.lax.fori_loop(1, _CH, body, scan_ref[pl.ds(0, 1), :])

    offs = [jnp.zeros((1, C), jnp.float32)]
    for c in range(1, nch):
        offs.append(offs[-1] + totals[:, (c - 1) * C:c * C])

    cs_cols = []
    for c in range(nch):
        blk = scan_ref[:, c * C:(c + 1) * C] + offs[c]
        cs_cols.append(blk.T)
    cs = jnp.concatenate(cs_cols, axis=1)

    cs_ref[0] = cs


def _first_argmax(a, fill):
    m = jnp.max(a, axis=-1, keepdims=True)
    idx = jax.lax.broadcasted_iota(jnp.int32, a.shape, 1)
    only = jnp.where(a == m, idx, fill)
    return jnp.min(only, axis=-1, keepdims=True)


def _select_kernel(ac_ref, lag_ref):
    ac = ac_ref[...]
    C, T = ac.shape

    lane = jax.lax.broadcasted_iota(jnp.int32, ac.shape, 1)
    neginf = jnp.float32(-jnp.inf)
    cand = jnp.where(lane == 0, neginf, ac)
    m1 = _first_argmax(cand, T)
    cand = jnp.where(lane == m1, neginf, cand)
    m2 = _first_argmax(cand, T)

    lag_ref[...] = jnp.concatenate(
        [jnp.broadcast_to(m1, (C, 16)), jnp.broadcast_to(m2, (C, 16)),
         jnp.zeros((C, 96), jnp.int32)], axis=1)


def _sc_shift_body(nc, ns, rows_per, s_hbm, lag_hbm, out_hbm,
                   row_v, out_v, lag_v):
    T = 4096
    wid = lax.axis_index("s") * nc + lax.axis_index("c")
    zero16 = jnp.zeros((16,), jnp.float32)

    @pl.loop(0, rows_per)
    def _row(i):
        r = wid * rows_per + i
        pltpu.sync_copy(s_hbm.at[r], row_v)
        pltpu.sync_copy(lag_hbm.at[r], lag_v)
        l1 = lag_v[pl.ds(0, 16)]
        l2 = lag_v[pl.ds(16, 16)]
        iota = lax.iota(jnp.int32, 16)

        @pl.loop(0, T // 16, unroll=4)
        def _chunk(c):
            base = c * 16
            bidx = base + iota
            i1 = bidx - l1
            i2 = bidx - l2
            g1 = plsc.load_gather(row_v, [jnp.maximum(i1, 0)])
            g2 = plsc.load_gather(row_v, [jnp.maximum(i2, 0)])
            a = (row_v[pl.ds(base, 16)] + jnp.where(i1 >= 0, g1, zero16)
                 + jnp.where(i2 >= 0, g2, zero16)) * (1.0 / 3.0)
            out_v[pl.ds(base, 16)] = a

        pltpu.sync_copy(out_v, out_hbm.at[r])


def _mix_kernel(agg_ref, trend_ref, w_ref, b_ref, out_ref):
    out_ref[0] = jax.lax.dot_general(
        w_ref[...], agg_ref[0] + trend_ref[0], (((1,), (0,)), ((), ())),
        preferred_element_type=jnp.float32,
        precision=jax.lax.Precision.HIGHEST) + b_ref[...]


def kernel(x, W, b):
    B, C, T = x.shape
    npad_l = _KS // 2
    n_in = T + 2 * npad_l
    nch = (n_in + _CH - 1) // _CH

    bs = pl.BlockSpec((1, C, T), lambda i: (i, 0, 0))

    cs_full = pl.pallas_call(
        _decomp_kernel,
        grid=(B,),
        in_specs=[bs],
        out_specs=pl.BlockSpec((1, C, nch * _CH), lambda i: (i, 0, 0)),
        out_shape=jax.ShapeDtypeStruct((B, C, nch * _CH), jnp.float32),
        scratch_shapes=[pltpu.VMEM((_CH, nch * C), jnp.float32)],
    )(x)

    cs = cs_full[..., :n_in]
    zero = jnp.zeros(cs.shape[:-1] + (1,), cs.dtype)
    cs = jnp.concatenate([zero, cs], axis=-1)
    trend = (cs[..., _KS:] - cs[..., :-_KS]) / _KS
    s_e = x - trend
    fx = jnp.fft.rfft(s_e, axis=-1)
    ac = jnp.fft.irfft(fx * jnp.conj(fx), n=T, axis=-1)

    R = B * C
    ac2 = ac.reshape(R, T)
    s2 = s_e.reshape(R, T)
    lags = pl.pallas_call(
        _select_kernel,
        grid=(B,),
        in_specs=[pl.BlockSpec((C, T), lambda i: (i, 0))],
        out_specs=pl.BlockSpec((C, 128), lambda i: (i, 0)),
        out_shape=jax.ShapeDtypeStruct((R, 128), jnp.int32),
    )(ac2)

    info = plsc.get_sparse_core_info()
    nc, ns = info.num_cores, info.num_subcores
    rows_per = R // (nc * ns)
    mesh = plsc.VectorSubcoreMesh(core_axis_name="c", subcore_axis_name="s")
    sc_shift = pl.kernel(
        functools.partial(_sc_shift_body, nc, ns, rows_per),
        out_type=jax.ShapeDtypeStruct((R, T), jnp.float32),
        mesh=mesh,
        compiler_params=pltpu.CompilerParams(needs_layout_passes=False),
        scratch_types=[
            pltpu.VMEM((T,), jnp.float32),
            pltpu.VMEM((T,), jnp.float32),
            pltpu.VMEM((128,), jnp.int32),
        ],
    )
    agg2 = sc_shift(s2, lags)
    agg = agg2.reshape(B, C, T)

    out = pl.pallas_call(
        _mix_kernel,
        grid=(B,),
        in_specs=[
            bs, bs,
            pl.BlockSpec((C, C), lambda i: (0, 0)),
            pl.BlockSpec((C, 1), lambda i: (0, 0)),
        ],
        out_specs=bs,
        out_shape=jax.ShapeDtypeStruct((B, C, T), jnp.float32),
    )(agg, trend, W, b.reshape(C, 1))
    return out, trend, agg

# --- scband reference (transcript-rebuilt; emitter-appended) ---
"""Pipeline reference for scband-autoformer-block-22007412424958 (READ-ONLY COPY).

The authoritative reference and input builder live on the scoring server;
editing this copy changes nothing except your own understanding.
"""

import jax, jax.numpy as jnp
import numpy as np

KERNEL_SIZE = 25
TOP_K = 3

def _avg_pool1d(x, k):
    # PyTorch AvgPool1d(kernel_size=k, stride=1, padding=k//2, count_include_pad=True)
    pad = k // 2
    xp = jnp.pad(x, ((0, 0), (0, 0), (pad, pad)))
    cs = jnp.cumsum(xp, axis=-1)
    zero = jnp.zeros(cs.shape[:-1] + (1,), cs.dtype)
    cs = jnp.concatenate([zero, cs], axis=-1)
    return (cs[..., k:] - cs[..., :-k]) / k

def _auto_correlation(x, top_k):
    B, C, T = x.shape
    fx = jnp.fft.rfft(x, axis=-1)
    ac = jnp.fft.irfft(fx * jnp.conj(fx), n=T, axis=-1)
    lags = jax.lax.top_k(ac, top_k)[1]  # [B, C, top_k] int32
    t = jnp.arange(T)[None, None, :]
    agg = jnp.zeros_like(x)
    for k in range(top_k):
        shift = lags[..., k:k + 1]  # [B, C, 1]
        idx = jnp.clip(t - shift, 0, T - 1)
        g = jnp.take_along_axis(x, idx, axis=-1)
        agg = agg + jnp.where(t >= shift, g, jnp.zeros_like(g))
    return agg / top_k

def setup_inputs(seed: int = 0):
    key = jax.random.key(seed)
    k1, k2, k3 = jax.random.split(key, 3)
    B, C, T = 32, 64, 4096
    x = jax.random.normal(k1, (B, C, T), dtype=jnp.float32)
    # Conv1d(C, C, kernel_size=1) parameters
    W = jax.random.normal(k2, (C, C), dtype=jnp.float32) * (1.0 / np.sqrt(C))
    b = jax.random.normal(k3, (C,), dtype=jnp.float32) * 0.01
    return {"x": x, "W": W, "b": b}

def reference(x, W, b):
    T = x.shape[-1]
    trend = _avg_pool1d(x, KERNEL_SIZE)
    if trend.shape[-1] != T:
        trend = jnp.pad(trend, ((0, 0), (0, 0), (0, T - trend.shape[-1])))
    seasonal = x - trend
    seasonal = _auto_correlation(seasonal, TOP_K)
    out = jnp.einsum('oc,bct->bot', W, seasonal + trend) + b[None, :, None]
    return (out, trend, seasonal)

if __name__ == "__main__":
    import jax
    _d = setup_inputs()
    print(jax.jit(kernel)(*tuple(_d.values())))

</pallas_src>

<mosaic_0001>
#map = affine_map<(d0, d1) -> (0, 0)>
module attributes {stable_mosaic.version = 14 : i64} {
  func.func @_sc_shift_body(%arg0: i32, %arg1: i32, %arg2: memref<2048x4096xf32, #tpu.memory_space<hbm>>, %arg3: memref<2048x128xi32, #tpu.memory_space<hbm>>, %arg4: memref<2048x4096xf32, #tpu.memory_space<hbm>>, %arg5: memref<4096xf32, #tpu.memory_space<vmem>>, %arg6: memref<4096xf32, #tpu.memory_space<vmem>>, %arg7: memref<128xi32, #tpu.memory_space<vmem>>) attributes {dimension_semantics = [#tpu.dimension_semantics<core_parallel>, #tpu.dimension_semantics<subcore_parallel>], iteration_bounds = array<i64: 2, 16>, scalar_prefetch = 0 : i64, scratch_operands = 3 : i64, tpu.core_type = #tpu.core_type<sc_vector_subcore>, window_params = [{transform_indices = #map}, {transform_indices = #map}, {transform_indices = #map}]} {
    %mul3A = arith.constant 2 : i32
    %mul3A_0 = arith.muli %arg1, %mul3A : i32
    %add3A = arith.addi %mul3A_0, %arg0 : i32
    %broadcast_in_dim3A = arith.constant 0.000000e+00 : f32
    %broadcast_in_dim3A_1 = vector.broadcast %broadcast_in_dim3A : f32 to vector<16xf32>
    %scan3A = arith.constant 0 : i32
    %scan3A_2 = arith.constant 64 : i32
    %scan3A_3 = arith.addi %scan3A, %scan3A_2 : i32
    %scan3A_4 = arith.constant 1 : i32
    scf.for %scan3A_6 = %scan3A to %scan3A_3 step %scan3A_4  : i32 {
      %mul3A_7 = arith.constant 1 : i32
      %mul3A_8 = arith.muli %scan3A_6, %mul3A_7 : i32
      %add3A_9 = arith.constant 0 : i32
      %add3A_10 = arith.addi %add3A_9, %mul3A_8 : i32
      %mul3A_11 = arith.constant 64 : i32
      %mul3A_12 = arith.muli %add3A, %mul3A_11 : i32
      %add3A_13 = arith.addi %mul3A_12, %add3A_10 : i32
      "tpu.region"() ({
        %run_scoped3A = tpu.sem_alloc : memref<!tpu.dma_semaphore, #tpu.memory_space<semaphore_mem>>
        %dma_start3A = arith.constant 0 : i32
        %dma_start3A_22 = tpu.memref_slice %arg2[%add3A_13, %dma_start3A] : memref<2048x4096xf32, #tpu.memory_space<hbm>> -> memref<1x4096xf32, #tpu.memory_space<hbm>>
        %dma_start3A_23 = tpu.memref_squeeze %dma_start3A_22 : memref<1x4096xf32, #tpu.memory_space<hbm>> -> memref<4096xf32, #tpu.memory_space<hbm>>
        %dma_start3A_24 = arith.constant 0 : i32
        %dma_start3A_25 = tpu.memref_slice %arg2[%add3A_13, %dma_start3A_24] : memref<2048x4096xf32, #tpu.memory_space<hbm>> -> memref<1x4096xf32, #tpu.memory_space<hbm>>
        %dma_start3A_26 = tpu.memref_squeeze %dma_start3A_25 : memref<1x4096xf32, #tpu.memory_space<hbm>> -> memref<4096xf32, #tpu.memory_space<hbm>>
        tpu.enqueue_dma source(%dma_start3A_26 : memref<4096xf32, #tpu.memory_space<hbm>>) target(%arg5 : memref<4096xf32, #tpu.memory_space<vmem>>) target_semaphore(%run_scoped3A : memref<!tpu.dma_semaphore, #tpu.memory_space<semaphore_mem>>)
        %dma_wait3A = arith.constant 0 : i32
        %dma_wait3A_27 = tpu.memref_slice %arg2[%add3A_13, %dma_wait3A] : memref<2048x4096xf32, #tpu.memory_space<hbm>> -> memref<1x4096xf32, #tpu.memory_space<hbm>>
        %dma_wait3A_28 = tpu.memref_squeeze %dma_wait3A_27 : memref<1x4096xf32, #tpu.memory_space<hbm>> -> memref<4096xf32, #tpu.memory_space<hbm>>
        %dma_wait3A_29 = arith.constant 0 : i32
        %dma_wait3A_30 = tpu.memref_slice %arg2[%add3A_13, %dma_wait3A_29] : memref<2048x4096xf32, #tpu.memory_space<hbm>> -> memref<1x4096xf32, #tpu.memory_space<hbm>>
        %dma_wait3A_31 = tpu.memref_squeeze %dma_wait3A_30 : memref<1x4096xf32, #tpu.memory_space<hbm>> -> memref<4096xf32, #tpu.memory_space<hbm>>
        tpu.wait_dma2 semaphore(%run_scoped3A : memref<!tpu.dma_semaphore, #tpu.memory_space<semaphore_mem>>) src(%dma_wait3A_31 : memref<4096xf32, #tpu.memory_space<hbm>>) dst(%arg5 : memref<4096xf32, #tpu.memory_space<vmem>>)
        tpu.yield
      }) : () -> ()
      "tpu.region"() ({
        %run_scoped3A = tpu.sem_alloc : memref<!tpu.dma_semaphore, #tpu.memory_space<semaphore_mem>>
        %dma_start3A = arith.constant 0 : i32
        %dma_start3A_22 = tpu.memref_slice %arg3[%add3A_13, %dma_start3A] : memref<2048x128xi32, #tpu.memory_space<hbm>> -> memref<1x128xi32, #tpu.memory_space<hbm>>
        %dma_start3A_23 = tpu.memref_squeeze %dma_start3A_22 : memref<1x128xi32, #tpu.memory_space<hbm>> -> memref<128xi32, #tpu.memory_space<hbm>>
        %dma_start3A_24 = arith.constant 0 : i32
        %dma_start3A_25 = tpu.memref_slice %arg3[%add3A_13, %dma_start3A_24] : memref<2048x128xi32, #tpu.memory_space<hbm>> -> memref<1x128xi32, #tpu.memory_space<hbm>>
        %dma_start3A_26 = tpu.memref_squeeze %dma_start3A_25 : memref<1x128xi32, #tpu.memory_space<hbm>> -> memref<128xi32, #tpu.memory_space<hbm>>
        tpu.enqueue_dma source(%dma_start3A_26 : memref<128xi32, #tpu.memory_space<hbm>>) target(%arg7 : memref<128xi32, #tpu.memory_space<vmem>>) target_semaphore(%run_scoped3A : memref<!tpu.dma_semaphore, #tpu.memory_space<semaphore_mem>>)
        %dma_wait3A = arith.constant 0 : i32
        %dma_wait3A_27 = tpu.memref_slice %arg3[%add3A_13, %dma_wait3A] : memref<2048x128xi32, #tpu.memory_space<hbm>> -> memref<1x128xi32, #tpu.memory_space<hbm>>
        %dma_wait3A_28 = tpu.memref_squeeze %dma_wait3A_27 : memref<1x128xi32, #tpu.memory_space<hbm>> -> memref<128xi32, #tpu.memory_space<hbm>>
        %dma_wait3A_29 = arith.constant 0 : i32
        %dma_wait3A_30 = tpu.memref_slice %arg3[%add3A_13, %dma_wait3A_29] : memref<2048x128xi32, #tpu.memory_space<hbm>> -> memref<1x128xi32, #tpu.memory_space<hbm>>
        %dma_wait3A_31 = tpu.memref_squeeze %dma_wait3A_30 : memref<1x128xi32, #tpu.memory_space<hbm>> -> memref<128xi32, #tpu.memory_space<hbm>>
        tpu.wait_dma2 semaphore(%run_scoped3A : memref<!tpu.dma_semaphore, #tpu.memory_space<semaphore_mem>>) src(%dma_wait3A_31 : memref<128xi32, #tpu.memory_space<hbm>>) dst(%arg7 : memref<128xi32, #tpu.memory_space<vmem>>)
        tpu.yield
      }) : () -> ()
      %get3A = arith.constant 0 : index
      %get3A_14 = tpu.vector_load %arg7[%get3A] {strides = array<i32>} : memref<128xi32, #tpu.memory_space<vmem>>, vector<16xi32>,
      %get3A_15 = arith.constant 16 : index
      %get3A_16 = tpu.vector_load %arg7[%get3A_15] {strides = array<i32>} : memref<128xi32, #tpu.memory_space<vmem>>, vector<16xi32>,
      %iota3A = tpu.iota {dimensions = array<i32: 0>} : vector<16xi32>
      %scan3A_17 = arith.constant 0 : i32
      %scan3A_18 = arith.constant 256 : i32
      %scan3A_19 = arith.addi %scan3A_17, %scan3A_18 : i32
      %scan3A_20 = arith.constant 4 : i32
      scf.for %scan3A_22 = %scan3A_17 to %scan3A_19 step %scan3A_20  : i32 {
        %mul3A_23 = arith.constant 1 : i32
        %mul3A_24 = arith.muli %scan3A_22, %mul3A_23 : i32
        %add3A_25 = arith.constant 0 : i32
        %add3A_26 = arith.addi %add3A_25, %mul3A_24 : i32
        %mul3A_27 = arith.constant 16 : i32
        %mul3A_28 = arith.muli %add3A_26, %mul3A_27 : i32
        %add3A_29 = vector.broadcast %mul3A_28 : i32 to vector<16xi32>
        %add3A_30 = arith.addi %add3A_29, %iota3A : vector<16xi32>
        %sub3A = arith.subi %add3A_30, %get3A_14 : vector<16xi32>
        %sub3A_31 = arith.subi %add3A_30, %get3A_16 : vector<16xi32>
        %max3A = arith.constant 0 : i32
        %max3A_32 = vector.broadcast %max3A : i32 to vector<16xi32>
        %max3A_33 = arith.maxsi %sub3A, %max3A_32 : vector<16xi32>
        %gather3A = tpu.vector_load_idx %arg5[%max3A_33] : memref<4096xf32, #tpu.memory_space<vmem>>[vector<16xi32>], vector<16xf32>,
        %max3A_34 = arith.constant 0 : i32
        %max3A_35 = vector.broadcast %max3A_34 : i32 to vector<16xi32>
        %max3A_36 = arith.maxsi %sub3A_31, %max3A_35 : vector<16xi32>
        %gather3A_37 = tpu.vector_load_idx %arg5[%max3A_36] : memref<4096xf32, #tpu.memory_space<vmem>>[vector<16xi32>], vector<16xf32>,
        %get3A_38 = arith.index_cast %mul3A_28 : i32 to index
        %get3A_39 = tpu.vector_load %arg5[%get3A_38] {strides = array<i32>} : memref<4096xf32, #tpu.memory_space<vmem>>, vector<16xf32>,
        %ge3A = arith.constant 0 : i32
        %ge3A_40 = vector.broadcast %ge3A : i32 to vector<16xi32>
        %ge3A_41 = arith.cmpi sge, %sub3A, %ge3A_40 : vector<16xi32>
        %select_n3A = arith.select %ge3A_41, %gather3A, %broadcast_in_dim3A_1 : vector<16xi1>, vector<16xf32>
        %add3A_42 = arith.addf %get3A_39, %select_n3A : vector<16xf32>
        %ge3A_43 = arith.constant 0 : i32
        %ge3A_44 = vector.broadcast %ge3A_43 : i32 to vector<16xi32>
        %ge3A_45 = arith.cmpi sge, %sub3A_31, %ge3A_44 : vector<16xi32>
        %select_n3A_46 = arith.select %ge3A_45, %gather3A_37, %broadcast_in_dim3A_1 : vector<16xi1>, vector<16xf32>
        %add3A_47 = arith.addf %add3A_42, %select_n3A_46 : vector<16xf32>
        %mul3A_48 = arith.constant 0.333333343 : f32
        %mul3A_49 = vector.broadcast %mul3A_48 : f32 to vector<16xf32>
        %mul3A_50 = arith.mulf %add3A_47, %mul3A_49 : vector<16xf32>
        %swap3A = arith.index_cast %mul3A_28 : i32 to index
        %swap3A_51 = tpu.vector_load %arg6[%swap3A] {strides = array<i32>} : memref<4096xf32, #tpu.memory_space<vmem>>, vector<16xf32>,
        tpu.vector_store %arg6[%swap3A], %mul3A_50 {strides = array<i32>} : memref<4096xf32, #tpu.memory_space<vmem>>, vector<16xf32>,
        %scan3A_52 = arith.constant 1 : i32
        %scan3A_53 = arith.addi %scan3A_22, %scan3A_52 : i32
        %mul3A_54 = arith.constant 1 : i32
        %mul3A_55 = arith.muli %scan3A_53, %mul3A_54 : i32
        %add3A_56 = arith.constant 0 : i32
        %add3A_57 = arith.addi %add3A_56, %mul3A_55 : i32
        %mul3A_58 = arith.constant 16 : i32
        %mul3A_59 = arith.muli %add3A_57, %mul3A_58 : i32
        %add3A_60 = vector.broadcast %mul3A_59 : i32 to vector<16xi32>
        %add3A_61 = arith.addi %add3A_60, %iota3A : vector<16xi32>
        %sub3A_62 = arith.subi %add3A_61, %get3A_14 : vector<16xi32>
        %sub3A_63 = arith.subi %add3A_61, %get3A_16 : vector<16xi32>
        %max3A_64 = arith.constant 0 : i32
        %max3A_65 = vector.broadcast %max3A_64 : i32 to vector<16xi32>
        %max3A_66 = arith.maxsi %sub3A_62, %max3A_65 : vector<16xi32>
        %gather3A_67 = tpu.vector_load_idx %arg5[%max3A_66] : memref<4096xf32, #tpu.memory_space<vmem>>[vector<16xi32>], vector<16xf32>,
        %max3A_68 = arith.constant 0 : i32
        %max3A_69 = vector.broadcast %max3A_68 : i32 to vector<16xi32>
        %max3A_70 = arith.maxsi %sub3A_63, %max3A_69 : vector<16xi32>
        %gather3A_71 = tpu.vector_load_idx %arg5[%max3A_70] : memref<4096xf32, #tpu.memory_space<vmem>>[vector<16xi32>], vector<16xf32>,
        %get3A_72 = arith.index_cast %mul3A_59 : i32 to index
        %get3A_73 = tpu.vector_load %arg5[%get3A_72] {strides = array<i32>} : memref<4096xf32, #tpu.memory_space<vmem>>, vector<16xf32>,
        %ge3A_74 = arith.constant 0 : i32
        %ge3A_75 = vector.broadcast %ge3A_74 : i32 to vector<16xi32>
        %ge3A_76 = arith.cmpi sge, %sub3A_62, %ge3A_75 : vector<16xi32>
        %select_n3A_77 = arith.select %ge3A_76, %gather3A_67, %broadcast_in_dim3A_1 : vector<16xi1>, vector<16xf32>
        %add3A_78 = arith.addf %get3A_73, %select_n3A_77 : vector<16xf32>
        %ge3A_79 = arith.constant 0 : i32
        %ge3A_80 = vector.broadcast %ge3A_79 : i32 to vector<16xi32>
        %ge3A_81 = arith.cmpi sge, %sub3A_63, %ge3A_80 : vector<16xi32>
        %select_n3A_82 = arith.select %ge3A_81, %gather3A_71, %broadcast_in_dim3A_1 : vector<16xi1>, vector<16xf32>
        %add3A_83 = arith.addf %add3A_78, %select_n3A_82 : vector<16xf32>
        %mul3A_84 = arith.constant 0.333333343 : f32
        %mul3A_85 = vector.broadcast %mul3A_84 : f32 to vector<16xf32>
        %mul3A_86 = arith.mulf %add3A_83, %mul3A_85 : vector<16xf32>
        %swap3A_87 = arith.index_cast %mul3A_59 : i32 to index
        %swap3A_88 = tpu.vector_load %arg6[%swap3A_87] {strides = array<i32>} : memref<4096xf32, #tpu.memory_space<vmem>>, vector<16xf32>,
        tpu.vector_store %arg6[%swap3A_87], %mul3A_86 {strides = array<i32>} : memref<4096xf32, #tpu.memory_space<vmem>>, vector<16xf32>,
        %scan3A_89 = arith.constant 2 : i32
        %scan3A_90 = arith.addi %scan3A_22, %scan3A_89 : i32
        %mul3A_91 = arith.constant 1 : i32
        %mul3A_92 = arith.muli %scan3A_90, %mul3A_91 : i32
        %add3A_93 = arith.constant 0 : i32
        %add3A_94 = arith.addi %add3A_93, %mul3A_92 : i32
        %mul3A_95 = arith.constant 16 : i32
        %mul3A_96 = arith.muli %add3A_94, %mul3A_95 : i32
        %add3A_97 = vector.broadcast %mul3A_96 : i32 to vector<16xi32>
        %add3A_98 = arith.addi %add3A_97, %iota3A : vector<16xi32>
        %sub3A_99 = arith.subi %add3A_98, %get3A_14 : vector<16xi32>
        %sub3A_100 = arith.subi %add3A_98, %get3A_16 : vector<16xi32>
        %max3A_101 = arith.constant 0 : i32
        %max3A_102 = vector.broadcast %max3A_101 : i32 to vector<16xi32>
        %max3A_103 = arith.maxsi %sub3A_99, %max3A_102 : vector<16xi32>
        %gather3A_104 = tpu.vector_load_idx %arg5[%max3A_103] : memref<4096xf32, #tpu.memory_space<vmem>>[vector<16xi32>], vector<16xf32>,
        %max3A_105 = arith.constant 0 : i32
        %max3A_106 = vector.broadcast %max3A_105 : i32 to vector<16xi32>
        %max3A_107 = arith.maxsi %sub3A_100, %max3A_106 : vector<16xi32>
        %gather3A_108 = tpu.vector_load_idx %arg5[%max3A_107] : memref<4096xf32, #tpu.memory_space<vmem>>[vector<16xi32>], vector<16xf32>,
        %get3A_109 = arith.index_cast %mul3A_96 : i32 to index
        %get3A_110 = tpu.vector_load %arg5[%get3A_109] {strides = array<i32>} : memref<4096xf32, #tpu.memory_space<vmem>>, vector<16xf32>,
        %ge3A_111 = arith.constant 0 : i32
        %ge3A_112 = vector.broadcast %ge3A_111 : i32 to vector<16xi32>
        %ge3A_113 = arith.cmpi sge, %sub3A_99, %ge3A_112 : vector<16xi32>
        %select_n3A_114 = arith.select %ge3A_113, %gather3A_104, %broadcast_in_dim3A_1 : vector<16xi1>, vector<16xf32>
        %add3A_115 = arith.addf %get3A_110, %select_n3A_114 : vector<16xf32>
        %ge3A_116 = arith.constant 0 : i32
        %ge3A_117 = vector.broadcast %ge3A_116 : i32 to vector<16xi32>
        %ge3A_118 = arith.cmpi sge, %sub3A_100, %ge3A_117 : vector<16xi32>
        %select_n3A_119 = arith.select %ge3A_118, %gather3A_108, %broadcast_in_dim3A_1 : vector<16xi1>, vector<16xf32>
        %add3A_120 = arith.addf %add3A_115, %select_n3A_119 : vector<16xf32>
        %mul3A_121 = arith.constant 0.333333343 : f32
        %mul3A_122 = vector.broadcast %mul3A_121 : f32 to vector<16xf32>
        %mul3A_123 = arith.mulf %add3A_120, %mul3A_122 : vector<16xf32>
        %swap3A_124 = arith.index_cast %mul3A_96 : i32 to index
        %swap3A_125 = tpu.vector_load %arg6[%swap3A_124] {strides = array<i32>} : memref<4096xf32, #tpu.memory_space<vmem>>, vector<16xf32>,
        tpu.vector_store %arg6[%swap3A_124], %mul3A_123 {strides = array<i32>} : memref<4096xf32, #tpu.memory_space<vmem>>, vector<16xf32>,
        %scan3A_126 = arith.constant 3 : i32
        %scan3A_127 = arith.addi %scan3A_22, %scan3A_126 : i32
        %mul3A_128 = arith.constant 1 : i32
        %mul3A_129 = arith.muli %scan3A_127, %mul3A_128 : i32
        %add3A_130 = arith.constant 0 : i32
        %add3A_131 = arith.addi %add3A_130, %mul3A_129 : i32
        %mul3A_132 = arith.constant 16 : i32
        %mul3A_133 = arith.muli %add3A_131, %mul3A_132 : i32
        %add3A_134 = vector.broadcast %mul3A_133 : i32 to vector<16xi32>
        %add3A_135 = arith.addi %add3A_134, %iota3A : vector<16xi32>
        %sub3A_136 = arith.subi %add3A_135, %get3A_14 : vector<16xi32>
        %sub3A_137 = arith.subi %add3A_135, %get3A_16 : vector<16xi32>
        %max3A_138 = arith.constant 0 : i32
        %max3A_139 = vector.broadcast %max3A_138 : i32 to vector<16xi32>
        %max3A_140 = arith.maxsi %sub3A_136, %max3A_139 : vector<16xi32>
        %gather3A_141 = tpu.vector_load_idx %arg5[%max3A_140] : memref<4096xf32, #tpu.memory_space<vmem>>[vector<16xi32>], vector<16xf32>,
        %max3A_142 = arith.constant 0 : i32
        %max3A_143 = vector.broadcast %max3A_142 : i32 to vector<16xi32>
        %max3A_144 = arith.maxsi %sub3A_137, %max3A_143 : vector<16xi32>
        %gather3A_145 = tpu.vector_load_idx %arg5[%max3A_144] : memref<4096xf32, #tpu.memory_space<vmem>>[vector<16xi32>], vector<16xf32>,
        %get3A_146 = arith.index_cast %mul3A_133 : i32 to index
        %get3A_147 = tpu.vector_load %arg5[%get3A_146] {strides = array<i32>} : memref<4096xf32, #tpu.memory_space<vmem>>, vector<16xf32>,
        %ge3A_148 = arith.constant 0 : i32
        %ge3A_149 = vector.broadcast %ge3A_148 : i32 to vector<16xi32>
        %ge3A_150 = arith.cmpi sge, %sub3A_136, %ge3A_149 : vector<16xi32>
        %select_n3A_151 = arith.select %ge3A_150, %gather3A_141, %broadcast_in_dim3A_1 : vector<16xi1>, vector<16xf32>
        %add3A_152 = arith.addf %get3A_147, %select_n3A_151 : vector<16xf32>
        %ge3A_153 = arith.constant 0 : i32
        %ge3A_154 = vector.broadcast %ge3A_153 : i32 to vector<16xi32>
        %ge3A_155 = arith.cmpi sge, %sub3A_137, %ge3A_154 : vector<16xi32>
        %select_n3A_156 = arith.select %ge3A_155, %gather3A_145, %broadcast_in_dim3A_1 : vector<16xi1>, vector<16xf32>
        %add3A_157 = arith.addf %add3A_152, %select_n3A_156 : vector<16xf32>
        %mul3A_158 = arith.constant 0.333333343 : f32
        %mul3A_159 = vector.broadcast %mul3A_158 : f32 to vector<16xf32>
        %mul3A_160 = arith.mulf %add3A_157, %mul3A_159 : vector<16xf32>
        %swap3A_161 = arith.index_cast %mul3A_133 : i32 to index
        %swap3A_162 = tpu.vector_load %arg6[%swap3A_161] {strides = array<i32>} : memref<4096xf32, #tpu.memory_space<vmem>>, vector<16xf32>,
        tpu.vector_store %arg6[%swap3A_161], %mul3A_160 {strides = array<i32>} : memref<4096xf32, #tpu.memory_space<vmem>>, vector<16xf32>,
      }
      %scan3A_21 = arith.constant 256 : i32
      "tpu.region"() ({
        %run_scoped3A = tpu.sem_alloc : memref<!tpu.dma_semaphore, #tpu.memory_space<semaphore_mem>>
        %dma_start3A = arith.constant 0 : i32
        %dma_start3A_22 = tpu.memref_slice %arg4[%add3A_13, %dma_start3A] : memref<2048x4096xf32, #tpu.memory_space<hbm>> -> memref<1x4096xf32, #tpu.memory_space<hbm>>
        %dma_start3A_23 = tpu.memref_squeeze %dma_start3A_22 : memref<1x4096xf32, #tpu.memory_space<hbm>> -> memref<4096xf32, #tpu.memory_space<hbm>>
        %dma_start3A_24 = arith.constant 0 : i32
        %dma_start3A_25 = tpu.memref_slice %arg4[%add3A_13, %dma_start3A_24] : memref<2048x4096xf32, #tpu.memory_space<hbm>> -> memref<1x4096xf32, #tpu.memory_space<hbm>>
        %dma_start3A_26 = tpu.memref_squeeze %dma_start3A_25 : memref<1x4096xf32, #tpu.memory_space<hbm>> -> memref<4096xf32, #tpu.memory_space<hbm>>
        tpu.enqueue_dma source(%arg6 : memref<4096xf32, #tpu.memory_space<vmem>>) target(%dma_start3A_26 : memref<4096xf32, #tpu.memory_space<hbm>>) target_semaphore(%run_scoped3A : memref<!tpu.dma_semaphore, #tpu.memory_space<semaphore_mem>>)
        %dma_wait3A = arith.constant 0 : i32
        %dma_wait3A_27 = tpu.memref_slice %arg4[%add3A_13, %dma_wait3A] : memref<2048x4096xf32, #tpu.memory_space<hbm>> -> memref<1x4096xf32, #tpu.memory_space<hbm>>
        %dma_wait3A_28 = tpu.memref_squeeze %dma_wait3A_27 : memref<1x4096xf32, #tpu.memory_space<hbm>> -> memref<4096xf32, #tpu.memory_space<hbm>>
        %dma_wait3A_29 = arith.constant 0 : i32
        %dma_wait3A_30 = tpu.memref_slice %arg4[%add3A_13, %dma_wait3A_29] : memref<2048x4096xf32, #tpu.memory_space<hbm>> -> memref<1x4096xf32, #tpu.memory_space<hbm>>
        %dma_wait3A_31 = tpu.memref_squeeze %dma_wait3A_30 : memref<1x4096xf32, #tpu.memory_space<hbm>> -> memref<4096xf32, #tpu.memory_space<hbm>>
        tpu.wait_dma2 semaphore(%run_scoped3A : memref<!tpu.dma_semaphore, #tpu.memory_space<semaphore_mem>>) src(%arg6 : memref<4096xf32, #tpu.memory_space<vmem>>) dst(%dma_wait3A_31 : memref<4096xf32, #tpu.memory_space<hbm>>)
        tpu.yield
      }) : () -> ()
    }
    %scan3A_5 = arith.constant 64 : i32
    return
  }
}

module attributes {stable_mosaic.version = 14 : i64} {
  func.func @_decomp_kernel(%arg0: i32, %arg1: memref<1x64x4096xf32, #tpu.memory_space<vmem>>, %arg2: memref<1x64x4224xf32, #tpu.memory_space<vmem>>, %arg3: memref<128x2112xf32, #tpu.memory_space<vmem>>) attributes {dimension_semantics = [#tpu.dimension_semantics<arbitrary>], iteration_bounds = array<i64: 32>, scalar_prefetch = 0 : i64, scratch_operands = 1 : i64, tpu.core_type = #tpu.core_type<tc>, window_params = [{transform_indices = @transform_0, window_bounds = array<i64: 1, 64, 4096>}, {transform_indices = @transform_1, window_bounds = array<i64: 1, 64, 4224>}]} {
    %get3A = arith.constant 0 : index
    %get3A_0 = arith.constant 0 : index
    %get3A_1 = arith.constant 0 : index
    %get3A_2 = vector.load %arg1[%get3A, %get3A_0, %get3A_1] : memref<1x64x4096xf32, #tpu.memory_space<vmem>>, vector<1x64x4096xf32>
    %get3A_3 = vector.shape_cast %get3A_2 : vector<1x64x4096xf32> to vector<64x4096xf32>
    %broadcast_in_dim3A = arith.constant 0.000000e+00 : f32
    %broadcast_in_dim3A_4 = vector.broadcast %broadcast_in_dim3A : f32 to vector<64x12xf32>
    %broadcast_in_dim3A_5 = arith.constant 0.000000e+00 : f32
    %broadcast_in_dim3A_6 = vector.broadcast %broadcast_in_dim3A_5 : f32 to vector<64x116xf32>
    %concatenate3A = tpu.concatenate %broadcast_in_dim3A_4, %get3A_3, %broadcast_in_dim3A_6 in 1 : vector<64x12xf32>, vector<64x4096xf32>, vector<64x116xf32> -> vector<64x4224xf32>
    %slice3A = vector.extract_strided_slice %concatenate3A {offsets = [0, 0], sizes = [64, 128], strides = [1, 1]} : vector<64x4224xf32> to vector<64x128xf32>
    %transpose3A = tpu.transpose %slice3A, [1, 0] : vector<64x128xf32> -> vector<128x64xf32>
    %slice3A_7 = vector.extract_strided_slice %concatenate3A {offsets = [0, 128], sizes = [64, 128], strides = [1, 1]} : vector<64x4224xf32> to vector<64x128xf32>
    %transpose3A_8 = tpu.transpose %slice3A_7, [1, 0] : vector<64x128xf32> -> vector<128x64xf32>
    %slice3A_9 = vector.extract_strided_slice %concatenate3A {offsets = [0, 256], sizes = [64, 128], strides = [1, 1]} : vector<64x4224xf32> to vector<64x128xf32>
    %transpose3A_10 = tpu.transpose %slice3A_9, [1, 0] : vector<64x128xf32> -> vector<128x64xf32>
    %slice3A_11 = vector.extract_strided_slice %concatenate3A {offsets = [0, 384], sizes = [64, 128], strides = [1, 1]} : vector<64x4224xf32> to vector<64x128xf32>
    %transpose3A_12 = tpu.transpose %slice3A_11, [1, 0] : vector<64x128xf32> -> vector<128x64xf32>
    %slice3A_13 = vector.extract_strided_slice %concatenate3A {offsets = [0, 512], sizes = [64, 128], strides = [1, 1]} : vector<64x4224xf32> to vector<64x128xf32>
    %transpose3A_14 = tpu.transpose %slice3A_13, [1, 0] : vector<64x128xf32> -> vector<128x64xf32>
    %slice3A_15 = vector.extract_strided_slice %concatenate3A {offsets = [0, 640], sizes = [64, 128], strides = [1, 1]} : vector<64x4224xf32> to vector<64x128xf32>
    %transpose3A_16 = tpu.transpose %slice3A_15, [1, 0] : vector<64x128xf32> -> vector<128x64xf32>
    %slice3A_17 = vector.extract_strided_slice %concatenate3A {offsets = [0, 768], sizes = [64, 128], strides = [1, 1]} : vector<64x4224xf32> to vector<64x128xf32>
    %transpose3A_18 = tpu.transpose %slice3A_17, [1, 0] : vector<64x128xf32> -> vector<128x64xf32>
    %slice3A_19 = vector.extract_strided_slice %concatenate3A {offsets = [0, 896], sizes = [64, 128], strides = [1, 1]} : vector<64x4224xf32> to vector<64x128xf32>
    %transpose3A_20 = tpu.transpose %slice3A_19, [1, 0] : vector<64x128xf32> -> vector<128x64xf32>
    %slice3A_21 = vector.extract_strided_slice %concatenate3A {offsets = [0, 1024], sizes = [64, 128], strides = [1, 1]} : vector<64x4224xf32> to vector<64x128xf32>
    %transpose3A_22 = tpu.transpose %slice3A_21, [1, 0] : vector<64x128xf32> -> vector<128x64xf32>
    %slice3A_23 = vector.extract_strided_slice %concatenate3A {offsets = [0, 1152], sizes = [64, 128], strides = [1, 1]} : vector<64x4224xf32> to vector<64x128xf32>
    %transpose3A_24 = tpu.transpose %slice3A_23, [1, 0] : vector<64x128xf32> -> vector<128x64xf32>
    %slice3A_25 = vector.extract_strided_slice %concatenate3A {offsets = [0, 1280], sizes = [64, 128], strides = [1, 1]} : vector<64x4224xf32> to vector<64x128xf32>
    %transpose3A_26 = tpu.transpose %slice3A_25, [1, 0] : vector<64x128xf32> -> vector<128x64xf32>
    %slice3A_27 = vector.extract_strided_slice %concatenate3A {offsets = [0, 1408], sizes = [64, 128], strides = [1, 1]} : vector<64x4224xf32> to vector<64x128xf32>
    %transpose3A_28 = tpu.transpose %slice3A_27, [1, 0] : vector<64x128xf32> -> vector<128x64xf32>
    %slice3A_29 = vector.extract_strided_slice %concatenate3A {offsets = [0, 1536], sizes = [64, 128], strides = [1, 1]} : vector<64x4224xf32> to vector<64x128xf32>
    %transpose3A_30 = tpu.transpose %slice3A_29, [1, 0] : vector<64x128xf32> -> vector<128x64xf32>
    %slice3A_31 = vector.extract_strided_slice %concatenate3A {offsets = [0, 1664], sizes = [64, 128], strides = [1, 1]} : vector<64x4224xf32> to vector<64x128xf32>
    %transpose3A_32 = tpu.transpose %slice3A_31, [1, 0] : vector<64x128xf32> -> vector<128x64xf32>
    %slice3A_33 = vector.extract_strided_slice %concatenate3A {offsets = [0, 1792], sizes = [64, 128], strides = [1, 1]} : vector<64x4224xf32> to vector<64x128xf32>
    %transpose3A_34 = tpu.transpose %slice3A_33, [1, 0] : vector<64x128xf32> -> vector<128x64xf32>
    %slice3A_35 = vector.extract_strided_slice %concatenate3A {offsets = [0, 1920], sizes = [64, 128], strides = [1, 1]} : vector<64x4224xf32> to vector<64x128xf32>
    %transpose3A_36 = tpu.transpose %slice3A_35, [1, 0] : vector<64x128xf32> -> vector<128x64xf32>
    %slice3A_37 = vector.extract_strided_slice %concatenate3A {offsets = [0, 2048], sizes = [64, 128], strides = [1, 1]} : vector<64x4224xf32> to vector<64x128xf32>
    %transpose3A_38 = tpu.transpose %slice3A_37, [1, 0] : vector<64x128xf32> -> vector<128x64xf32>
    %slice3A_39 = vector.extract_strided_slice %concatenate3A {offsets = [0, 2176], sizes = [64, 128], strides = [1, 1]} : vector<64x4224xf32> to vector<64x128xf32>
    %transpose3A_40 = tpu.transpose %slice3A_39, [1, 0] : vector<64x128xf32> -> vector<128x64xf32>
    %slice3A_41 = vector.extract_strided_slice %concatenate3A {offsets = [0, 2304], sizes = [64, 128], strides = [1, 1]} : vector<64x4224xf32> to vector<64x128xf32>
    %transpose3A_42 = tpu.transpose %slice3A_41, [1, 0] : vector<64x128xf32> -> vector<128x64xf32>
    %slice3A_43 = vector.extract_strided_slice %concatenate3A {offsets = [0, 2432], sizes = [64, 128], strides = [1, 1]} : vector<64x4224xf32> to vector<64x128xf32>
    %transpose3A_44 = tpu.transpose %slice3A_43, [1, 0] : vector<64x128xf32> -> vector<128x64xf32>
    %slice3A_45 = vector.extract_strided_slice %concatenate3A {offsets = [0, 2560], sizes = [64, 128], strides = [1, 1]} : vector<64x4224xf32> to vector<64x128xf32>
    %transpose3A_46 = tpu.transpose %slice3A_45, [1, 0] : vector<64x128xf32> -> vector<128x64xf32>
    %slice3A_47 = vector.extract_strided_slice %concatenate3A {offsets = [0, 2688], sizes = [64, 128], strides = [1, 1]} : vector<64x4224xf32> to vector<64x128xf32>
    %transpose3A_48 = tpu.transpose %slice3A_47, [1, 0] : vector<64x128xf32> -> vector<128x64xf32>
    %slice3A_49 = vector.extract_strided_slice %concatenate3A {offsets = [0, 2816], sizes = [64, 128], strides = [1, 1]} : vector<64x4224xf32> to vector<64x128xf32>
    %transpose3A_50 = tpu.transpose %slice3A_49, [1, 0] : vector<64x128xf32> -> vector<128x64xf32>
    %slice3A_51 = vector.extract_strided_slice %concatenate3A {offsets = [0, 2944], sizes = [64, 128], strides = [1, 1]} : vector<64x4224xf32> to vector<64x128xf32>
    %transpose3A_52 = tpu.transpose %slice3A_51, [1, 0] : vector<64x128xf32> -> vector<128x64xf32>
    %slice3A_53 = vector.extract_strided_slice %concatenate3A {offsets = [0, 3072], sizes = [64, 128], strides = [1, 1]} : vector<64x4224xf32> to vector<64x128xf32>
    %transpose3A_54 = tpu.transpose %slice3A_53, [1, 0] : vector<64x128xf32> -> vector<128x64xf32>
    %slice3A_55 = vector.extract_strided_slice %concatenate3A {offsets = [0, 3200], sizes = [64, 128], strides = [1, 1]} : vector<64x4224xf32> to vector<64x128xf32>
    %transpose3A_56 = tpu.transpose %slice3A_55, [1, 0] : vector<64x128xf32> -> vector<128x64xf32>
    %slice3A_57 = vector.extract_strided_slice %concatenate3A {offsets = [0, 3328], sizes = [64, 128], strides = [1, 1]} : vector<64x4224xf32> to vector<64x128xf32>
    %transpose3A_58 = tpu.transpose %slice3A_57, [1, 0] : vector<64x128xf32> -> vector<128x64xf32>
    %slice3A_59 = vector.extract_strided_slice %concatenate3A {offsets = [0, 3456], sizes = [64, 128], strides = [1, 1]} : vector<64x4224xf32> to vector<64x128xf32>
    %transpose3A_60 = tpu.transpose %slice3A_59, [1, 0] : vector<64x128xf32> -> vector<128x64xf32>
    %slice3A_61 = vector.extract_strided_slice %concatenate3A {offsets = [0, 3584], sizes = [64, 128], strides = [1, 1]} : vector<64x4224xf32> to vector<64x128xf32>
    %transpose3A_62 = tpu.transpose %slice3A_61, [1, 0] : vector<64x128xf32> -> vector<128x64xf32>
    %slice3A_63 = vector.extract_strided_slice %concatenate3A {offsets = [0, 3712], sizes = [64, 128], strides = [1, 1]} : vector<64x4224xf32> to vector<64x128xf32>
    %transpose3A_64 = tpu.transpose %slice3A_63, [1, 0] : vector<64x128xf32> -> vector<128x64xf32>
    %slice3A_65 = vector.extract_strided_slice %concatenate3A {offsets = [0, 3840], sizes = [64, 128], strides = [1, 1]} : vector<64x4224xf32> to vector<64x128xf32>
    %transpose3A_66 = tpu.transpose %slice3A_65, [1, 0] : vector<64x128xf32> -> vector<128x64xf32>
    %slice3A_67 = vector.extract_strided_slice %concatenate3A {offsets = [0, 3968], sizes = [64, 128], strides = [1, 1]} : vector<64x4224xf32> to vector<64x128xf32>
    %transpose3A_68 = tpu.transpose %slice3A_67, [1, 0] : vector<64x128xf32> -> vector<128x64xf32>
    %slice3A_69 = vector.extract_strided_slice %concatenate3A {offsets = [0, 4096], sizes = [64, 128], strides = [1, 1]} : vector<64x4224xf32> to vector<64x128xf32>
    %transpose3A_70 = tpu.transpose %slice3A_69, [1, 0] : vector<64x128xf32> -> vector<128x64xf32>
    %concatenate3A_71 = tpu.concatenate %transpose3A, %transpose3A_8, %transpose3A_10, %transpose3A_12, %transpose3A_14, %transpose3A_16, %transpose3A_18, %transpose3A_20, %transpose3A_22, %transpose3A_24, %transpose3A_26, %transpose3A_28, %transpose3A_30, %transpose3A_32, %transpose3A_34, %transpose3A_36, %transpose3A_38, %transpose3A_40, %transpose3A_42, %transpose3A_44, %transpose3A_46, %transpose3A_48, %transpose3A_50, %transpose3A_52, %transpose3A_54, %transpose3A_56, %transpose3A_58, %transpose3A_60, %transpose3A_62, %transpose3A_64, %transpose3A_66, %transpose3A_68, %transpose3A_70 in 1 : vector<128x64xf32>, vector<128x64xf32>, vector<128x64xf32>, vector<128x64xf32>, vector<128x64xf32>, vector<128x64xf32>, vector<128x64xf32>, vector<128x64xf32>, vector<128x64xf32>, vector<128x64xf32>, vector<128x64xf32>, vector<128x64xf32>, vector<128x64xf32>, vector<128x64xf32>, vector<128x64xf32>, vector<128x64xf32>, vector<128x64xf32>, vector<128x64xf32>, vector<128x64xf32>, vector<128x64xf32>, vector<128x64xf32>, vector<128x64xf32>, vector<128x64xf32>, vector<128x64xf32>, vector<128x64xf32>, vector<128x64xf32>, vector<128x64xf32>, vector<128x64xf32>, vector<128x64xf32>, vector<128x64xf32>, vector<128x64xf32>, vector<128x64xf32>, vector<128x64xf32> -> vector<128x2112xf32>
    %swap3A = arith.constant 0 : index
    %swap3A_72 = arith.constant 0 : index
    %swap3A_73 = vector.load %arg3[%swap3A, %swap3A_72] : memref<128x2112xf32, #tpu.memory_space<vmem>>, vector<128x2112xf32>
    tpu.vector_store %arg3[%swap3A, %swap3A_72], %concatenate3A_71 {strides = array<i32>} : memref<128x2112xf32, #tpu.memory_space<vmem>>, vector<128x2112xf32>,
    %get3A_74 = arith.constant 0 : index
    %get3A_75 = arith.constant 0 : index
    %get3A_76 = vector.load %arg3[%get3A_74, %get3A_75] : memref<128x2112xf32, #tpu.memory_space<vmem>>, vector<1x2112xf32>
    %scan3A = arith.constant 1 : i32
    %scan3A_77 = arith.constant 127 : i32
    %scan3A_78 = arith.addi %scan3A, %scan3A_77 : i32
    %scan3A_79 = arith.constant 1 : i32
    %scan3A_80 = scf.for %scan3A_352 = %scan3A to %scan3A_78 step %scan3A_79 iter_args(%scan3A_353 = %get3A_76) -> (vector<1x2112xf32>)  : i32 {
      %get3A_354 = arith.index_cast %scan3A_352 : i32 to index
      %get3A_355 = arith.constant 0 : index
      %get3A_356 = vector.load %arg3[%get3A_354, %get3A_355] : memref<128x2112xf32, #tpu.memory_space<vmem>>, vector<1x2112xf32>
      %add3A_357 = arith.addf %scan3A_353, %get3A_356 : vector<1x2112xf32>
      %swap3A_358 = arith.index_cast %scan3A_352 : i32 to index
      %swap3A_359 = arith.constant 0 : index
      %swap3A_360 = vector.load %arg3[%swap3A_358, %swap3A_359] : memref<128x2112xf32, #tpu.memory_space<vmem>>, vector<1x2112xf32>
      tpu.vector_store %arg3[%swap3A_358, %swap3A_359], %add3A_357 {strides = array<i32>} : memref<128x2112xf32, #tpu.memory_space<vmem>>, vector<1x2112xf32>,
      scf.yield %add3A_357 : vector<1x2112xf32>
    }
    %scan3A_81 = arith.constant 127 : i32
    %broadcast_in_dim3A_82 = arith.constant 0.000000e+00 : f32
    %broadcast_in_dim3A_83 = vector.broadcast %broadcast_in_dim3A_82 : f32 to vector<1x64xf32>
    %slice3A_84 = vector.extract_strided_slice %scan3A_80 {offsets = [0, 0], sizes = [1, 64], strides = [1, 1]} : vector<1x2112xf32> to vector<1x64xf32>
    %add3A = arith.addf %broadcast_in_dim3A_83, %slice3A_84 : vector<1x64xf32>
    %slice3A_85 = vector.extract_strided_slice %scan3A_80 {offsets = [0, 64], sizes = [1, 64], strides = [1, 1]} : vector<1x2112xf32> to vector<1x64xf32>
    %add3A_86 = arith.addf %add3A, %slice3A_85 : vector<1x64xf32>
    %slice3A_87 = vector.extract_strided_slice %scan3A_80 {offsets = [0, 128], sizes = [1, 64], strides = [1, 1]} : vector<1x2112xf32> to vector<1x64xf32>
    %add3A_88 = arith.addf %add3A_86, %slice3A_87 : vector<1x64xf32>
    %slice3A_89 = vector.extract_strided_slice %scan3A_80 {offsets = [0, 192], sizes = [1, 64], strides = [1, 1]} : vector<1x2112xf32> to vector<1x64xf32>
    %add3A_90 = arith.addf %add3A_88, %slice3A_89 : vector<1x64xf32>
    %slice3A_91 = vector.extract_strided_slice %scan3A_80 {offsets = [0, 256], sizes = [1, 64], strides = [1, 1]} : vector<1x2112xf32> to vector<1x64xf32>
    %add3A_92 = arith.addf %add3A_90, %slice3A_91 : vector<1x64xf32>
    %slice3A_93 = vector.extract_strided_slice %scan3A_80 {offsets = [0, 320], sizes = [1, 64], strides = [1, 1]} : vector<1x2112xf32> to vector<1x64xf32>
    %add3A_94 = arith.addf %add3A_92, %slice3A_93 : vector<1x64xf32>
    %slice3A_95 = vector.extract_strided_slice %scan3A_80 {offsets = [0, 384], sizes = [1, 64], strides = [1, 1]} : vector<1x2112xf32> to vector<1x64xf32>
    %add3A_96 = arith.addf %add3A_94, %slice3A_95 : vector<1x64xf32>
    %slice3A_97 = vector.extract_strided_slice %scan3A_80 {offsets = [0, 448], sizes = [1, 64], strides = [1, 1]} : vector<1x2112xf32> to vector<1x64xf32>
    %add3A_98 = arith.addf %add3A_96, %slice3A_97 : vector<1x64xf32>
    %slice3A_99 = vector.extract_strided_slice %scan3A_80 {offsets = [0, 512], sizes = [1, 64], strides = [1, 1]} : vector<1x2112xf32> to vector<1x64xf32>
    %add3A_100 = arith.addf %add3A_98, %slice3A_99 : vector<1x64xf32>
    %slice3A_101 = vector.extract_strided_slice %scan3A_80 {offsets = [0, 576], sizes = [1, 64], strides = [1, 1]} : vector<1x2112xf32> to vector<1x64xf32>
    %add3A_102 = arith.addf %add3A_100, %slice3A_101 : vector<1x64xf32>
    %slice3A_103 = vector.extract_strided_slice %scan3A_80 {offsets = [0, 640], sizes = [1, 64], strides = [1, 1]} : vector<1x2112xf32> to vector<1x64xf32>
    %add3A_104 = arith.addf %add3A_102, %slice3A_103 : vector<1x64xf32>
    %slice3A_105 = vector.extract_strided_slice %scan3A_80 {offsets = [0, 704], sizes = [1, 64], strides = [1, 1]} : vector<1x2112xf32> to vector<1x64xf32>
    %add3A_106 = arith.addf %add3A_104, %slice3A_105 : vector<1x64xf32>
    %slice3A_107 = vector.extract_strided_slice %scan3A_80 {offsets = [0, 768], sizes = [1, 64], strides = [1, 1]} : vector<1x2112xf32> to vector<1x64xf32>
    %add3A_108 = arith.addf %add3A_106, %slice3A_107 : vector<1x64xf32>
    %slice3A_109 = vector.extract_strided_slice %scan3A_80 {offsets = [0, 832], sizes = [1, 64], strides = [1, 1]} : vector<1x2112xf32> to vector<1x64xf32>
    %add3A_110 = arith.addf %add3A_108, %slice3A_109 : vector<1x64xf32>
    %slice3A_111 = vector.extract_strided_slice %scan3A_80 {offsets = [0, 896], sizes = [1, 64], strides = [1, 1]} : vector<1x2112xf32> to vector<1x64xf32>
    %add3A_112 = arith.addf %add3A_110, %slice3A_111 : vector<1x64xf32>
    %slice3A_113 = vector.extract_strided_slice %scan3A_80 {offsets = [0, 960], sizes = [1, 64], strides = [1, 1]} : vector<1x2112xf32> to vector<1x64xf32>
    %add3A_114 = arith.addf %add3A_112, %slice3A_113 : vector<1x64xf32>
    %slice3A_115 = vector.extract_strided_slice %scan3A_80 {offsets = [0, 1024], sizes = [1, 64], strides = [1, 1]} : vector<1x2112xf32> to vector<1x64xf32>
    %add3A_116 = arith.addf %add3A_114, %slice3A_115 : vector<1x64xf32>
    %slice3A_117 = vector.extract_strided_slice %scan3A_80 {offsets = [0, 1088], sizes = [1, 64], strides = [1, 1]} : vector<1x2112xf32> to vector<1x64xf32>
    %add3A_118 = arith.addf %add3A_116, %slice3A_117 : vector<1x64xf32>
    %slice3A_119 = vector.extract_strided_slice %scan3A_80 {offsets = [0, 1152], sizes = [1, 64], strides = [1, 1]} : vector<1x2112xf32> to vector<1x64xf32>
    %add3A_120 = arith.addf %add3A_118, %slice3A_119 : vector<1x64xf32>
    %slice3A_121 = vector.extract_strided_slice %scan3A_80 {offsets = [0, 1216], sizes = [1, 64], strides = [1, 1]} : vector<1x2112xf32> to vector<1x64xf32>
    %add3A_122 = arith.addf %add3A_120, %slice3A_121 : vector<1x64xf32>
    %slice3A_123 = vector.extract_strided_slice %scan3A_80 {offsets = [0, 1280], sizes = [1, 64], strides = [1, 1]} : vector<1x2112xf32> to vector<1x64xf32>
    %add3A_124 = arith.addf %add3A_122, %slice3A_123 : vector<1x64xf32>
    %slice3A_125 = vector.extract_strided_slice %scan3A_80 {offsets = [0, 1344], sizes = [1, 64], strides = [1, 1]} : vector<1x2112xf32> to vector<1x64xf32>
    %add3A_126 = arith.addf %add3A_124, %slice3A_125 : vector<1x64xf32>
    %slice3A_127 = vector.extract_strided_slice %scan3A_80 {offsets = [0, 1408], sizes = [1, 64], strides = [1, 1]} : vector<1x2112xf32> to vector<1x64xf32>
    %add3A_128 = arith.addf %add3A_126, %slice3A_127 : vector<1x64xf32>
    %slice3A_129 = vector.extract_strided_slice %scan3A_80 {offsets = [0, 1472], sizes = [1, 64], strides = [1, 1]} : vector<1x2112xf32> to vector<1x64xf32>
    %add3A_130 = arith.addf %add3A_128, %slice3A_129 : vector<1x64xf32>
    %slice3A_131 = vector.extract_strided_slice %scan3A_80 {offsets = [0, 1536], sizes = [1, 64], strides = [1, 1]} : vector<1x2112xf32> to vector<1x64xf32>
    %add3A_132 = arith.addf %add3A_130, %slice3A_131 : vector<1x64xf32>
    %slice3A_133 = vector.extract_strided_slice %scan3A_80 {offsets = [0, 1600], sizes = [1, 64], strides = [1, 1]} : vector<1x2112xf32> to vector<1x64xf32>
    %add3A_134 = arith.addf %add3A_132, %slice3A_133 : vector<1x64xf32>
    %slice3A_135 = vector.extract_strided_slice %scan3A_80 {offsets = [0, 1664], sizes = [1, 64], strides = [1, 1]} : vector<1x2112xf32> to vector<1x64xf32>
    %add3A_136 = arith.addf %add3A_134, %slice3A_135 : vector<1x64xf32>
    %slice3A_137 = vector.extract_strided_slice %scan3A_80 {offsets = [0, 1728], sizes = [1, 64], strides = [1, 1]} : vector<1x2112xf32> to vector<1x64xf32>
    %add3A_138 = arith.addf %add3A_136, %slice3A_137 : vector<1x64xf32>
    %slice3A_139 = vector.extract_strided_slice %scan3A_80 {offsets = [0, 1792], sizes = [1, 64], strides = [1, 1]} : vector<1x2112xf32> to vector<1x64xf32>
    %add3A_140 = arith.addf %add3A_138, %slice3A_139 : vector<1x64xf32>
    %slice3A_141 = vector.extract_strided_slice %scan3A_80 {offsets = [0, 1856], sizes = [1, 64], strides = [1, 1]} : vector<1x2112xf32> to vector<1x64xf32>
    %add3A_142 = arith.addf %add3A_140, %slice3A_141 : vector<1x64xf32>
    %slice3A_143 = vector.extract_strided_slice %scan3A_80 {offsets = [0, 1920], sizes = [1, 64], strides = [1, 1]} : vector<1x2112xf32> to vector<1x64xf32>
    %add3A_144 = arith.addf %add3A_142, %slice3A_143 : vector<1x64xf32>
    %slice3A_145 = vector.extract_strided_slice %scan3A_80 {offsets = [0, 1984], sizes = [1, 64], strides = [1, 1]} : vector<1x2112xf32> to vector<1x64xf32>
    %add3A_146 = arith.addf %add3A_144, %slice3A_145 : vector<1x64xf32>
    %get3A_147 = arith.constant 0 : index
    %get3A_148 = arith.constant 0 : index
    %get3A_149 = vector.load %arg3[%get3A_147, %get3A_148] : memref<128x2112xf32, #tpu.memory_space<vmem>>, vector<128x64xf32>
    %add3A_150 = vector.broadcast %broadcast_in_dim3A_83 : vector<1x64xf32> to vector<128x64xf32>
    %add3A_151 = arith.addf %get3A_149, %add3A_150 : vector<128x64xf32>
    %transpose3A_152 = tpu.transpose %add3A_151, [1, 0] : vector<128x64xf32> -> vector<64x128xf32>
    %get3A_153 = arith.constant 0 : index
    %get3A_154 = arith.constant 64 : index
    %get3A_155 = vector.load %arg3[%get3A_153, %get3A_154] : memref<128x2112xf32, #tpu.memory_space<vmem>>, vector<128x64xf32>
    %add3A_156 = vector.broadcast %add3A : vector<1x64xf32> to vector<128x64xf32>
    %add3A_157 = arith.addf %get3A_155, %add3A_156 : vector<128x64xf32>
    %transpose3A_158 = tpu.transpose %add3A_157, [1, 0] : vector<128x64xf32> -> vector<64x128xf32>
    %get3A_159 = arith.constant 0 : index
    %get3A_160 = arith.constant 128 : index
    %get3A_161 = vector.load %arg3[%get3A_159, %get3A_160] : memref<128x2112xf32, #tpu.memory_space<vmem>>, vector<128x64xf32>
    %add3A_162 = vector.broadcast %add3A_86 : vector<1x64xf32> to vector<128x64xf32>
    %add3A_163 = arith.addf %get3A_161, %add3A_162 : vector<128x64xf32>
    %transpose3A_164 = tpu.transpose %add3A_163, [1, 0] : vector<128x64xf32> -> vector<64x128xf32>
    %get3A_165 = arith.constant 0 : index
    %get3A_166 = arith.constant 192 : index
    %get3A_167 = vector.load %arg3[%get3A_165, %get3A_166] : memref<128x2112xf32, #tpu.memory_space<vmem>>, vector<128x64xf32>
    %add3A_168 = vector.broadcast %add3A_88 : vector<1x64xf32> to vector<128x64xf32>
    %add3A_169 = arith.addf %get3A_167, %add3A_168 : vector<128x64xf32>
    %transpose3A_170 = tpu.transpose %add3A_169, [1, 0] : vector<128x64xf32> -> vector<64x128xf32>
    %get3A_171 = arith.constant 0 : index
    %get3A_172 = arith.constant 256 : index
    %get3A_173 = vector.load %arg3[%get3A_171, %get3A_172] : memref<128x2112xf32, #tpu.memory_space<vmem>>, vector<128x64xf32>
    %add3A_174 = vector.broadcast %add3A_90 : vector<1x64xf32> to vector<128x64xf32>
    %add3A_175 = arith.addf %get3A_173, %add3A_174 : vector<128x64xf32>
    %transpose3A_176 = tpu.transpose %add3A_175, [1, 0] : vector<128x64xf32> -> vector<64x128xf32>
    %get3A_177 = arith.constant 0 : index
    %get3A_178 = arith.constant 320 : index
    %get3A_179 = vector.load %arg3[%get3A_177, %get3A_178] : memref<128x2112xf32, #tpu.memory_space<vmem>>, vector<128x64xf32>
    %add3A_180 = vector.broadcast %add3A_92 : vector<1x64xf32> to vector<128x64xf32>
    %add3A_181 = arith.addf %get3A_179, %add3A_180 : vector<128x64xf32>
    %transpose3A_182 = tpu.transpose %add3A_181, [1, 0] : vector<128x64xf32> -> vector<64x128xf32>
    %get3A_183 = arith.constant 0 : index
    %get3A_184 = arith.constant 384 : index
    %get3A_185 = vector.load %arg3[%get3A_183, %get3A_184] : memref<128x2112xf32, #tpu.memory_space<vmem>>, vector<128x64xf32>
    %add3A_186 = vector.broadcast %add3A_94 : vector<1x64xf32> to vector<128x64xf32>
    %add3A_187 = arith.addf %get3A_185, %add3A_186 : vector<128x64xf32>
    %transpose3A_188 = tpu.transpose %add3A_187, [1, 0] : vector<128x64xf32> -> vector<64x128xf32>
    %get3A_189 = arith.constant 0 : index
    %get3A_190 = arith.constant 448 : index
    %get3A_191 = vector.load %arg3[%get3A_189, %get3A_190] : memref<128x2112xf32, #tpu.memory_space<vmem>>, vector<128x64xf32>
    %add3A_192 = vector.broadcast %add3A_96 : vector<1x64xf32> to vector<128x64xf32>
    %add3A_193 = arith.addf %get3A_191, %add3A_192 : vector<128x64xf32>
    %transpose3A_194 = tpu.transpose %add3A_193, [1, 0] : vector<128x64xf32> -> vector<64x128xf32>
    %get3A_195 = arith.constant 0 : index
    %get3A_196 = arith.constant 512 : index
    %get3A_197 = vector.load %arg3[%get3A_195, %get3A_196] : memref<128x2112xf32, #tpu.memory_space<vmem>>, vector<128x64xf32>
    %add3A_198 = vector.broadcast %add3A_98 : vector<1x64xf32> to vector<128x64xf32>
    %add3A_199 = arith.addf %get3A_197, %add3A_198 : vector<128x64xf32>
    %transpose3A_200 = tpu.transpose %add3A_199, [1, 0] : vector<128x64xf32> -> vector<64x128xf32>
    %get3A_201 = arith.constant 0 : index
    %get3A_202 = arith.constant 576 : index
    %get3A_203 = vector.load %arg3[%get3A_201, %get3A_202] : memref<128x2112xf32, #tpu.memory_space<vmem>>, vector<128x64xf32>
    %add3A_204 = vector.broadcast %add3A_100 : vector<1x64xf32> to vector<128x64xf32>
    %add3A_205 = arith.addf %get3A_203, %add3A_204 : vector<128x64xf32>
    %transpose3A_206 = tpu.transpose %add3A_205, [1, 0] : vector<128x64xf32> -> vector<64x128xf32>
    %get3A_207 = arith.constant 0 : index
    %get3A_208 = arith.constant 640 : index
    %get3A_209 = vector.load %arg3[%get3A_207, %get3A_208] : memref<128x2112xf32, #tpu.memory_space<vmem>>, vector<128x64xf32>
    %add3A_210 = vector.broadcast %add3A_102 : vector<1x64xf32> to vector<128x64xf32>
    %add3A_211 = arith.addf %get3A_209, %add3A_210 : vector<128x64xf32>
    %transpose3A_212 = tpu.transpose %add3A_211, [1, 0] : vector<128x64xf32> -> vector<64x128xf32>
    %get3A_213 = arith.constant 0 : index
    %get3A_214 = arith.constant 704 : index
    %get3A_215 = vector.load %arg3[%get3A_213, %get3A_214] : memref<128x2112xf32, #tpu.memory_space<vmem>>, vector<128x64xf32>
    %add3A_216 = vector.broadcast %add3A_104 : vector<1x64xf32> to vector<128x64xf32>
    %add3A_217 = arith.addf %get3A_215, %add3A_216 : vector<128x64xf32>
    %transpose3A_218 = tpu.transpose %add3A_217, [1, 0] : vector<128x64xf32> -> vector<64x128xf32>
    %get3A_219 = arith.constant 0 : index
    %get3A_220 = arith.constant 768 : index
    %get3A_221 = vector.load %arg3[%get3A_219, %get3A_220] : memref<128x2112xf32, #tpu.memory_space<vmem>>, vector<128x64xf32>
    %add3A_222 = vector.broadcast %add3A_106 : vector<1x64xf32> to vector<128x64xf32>
    %add3A_223 = arith.addf %get3A_221, %add3A_222 : vector<128x64xf32>
    %transpose3A_224 = tpu.transpose %add3A_223, [1, 0] : vector<128x64xf32> -> vector<64x128xf32>
    %get3A_225 = arith.constant 0 : index
    %get3A_226 = arith.constant 832 : index
    %get3A_227 = vector.load %arg3[%get3A_225, %get3A_226] : memref<128x2112xf32, #tpu.memory_space<vmem>>, vector<128x64xf32>
    %add3A_228 = vector.broadcast %add3A_108 : vector<1x64xf32> to vector<128x64xf32>
    %add3A_229 = arith.addf %get3A_227, %add3A_228 : vector<128x64xf32>
    %transpose3A_230 = tpu.transpose %add3A_229, [1, 0] : vector<128x64xf32> -> vector<64x128xf32>
    %get3A_231 = arith.constant 0 : index
    %get3A_232 = arith.constant 896 : index
    %get3A_233 = vector.load %arg3[%get3A_231, %get3A_232] : memref<128x2112xf32, #tpu.memory_space<vmem>>, vector<128x64xf32>
    %add3A_234 = vector.broadcast %add3A_110 : vector<1x64xf32> to vector<128x64xf32>
    %add3A_235 = arith.addf %get3A_233, %add3A_234 : vector<128x64xf32>
    %transpose3A_236 = tpu.transpose %add3A_235, [1, 0] : vector<128x64xf32> -> vector<64x128xf32>
    %get3A_237 = arith.constant 0 : index
    %get3A_238 = arith.constant 960 : index
    %get3A_239 = vector.load %arg3[%get3A_237, %get3A_238] : memref<128x2112xf32, #tpu.memory_space<vmem>>, vector<128x64xf32>
    %add3A_240 = vector.broadcast %add3A_112 : vector<1x64xf32> to vector<128x64xf32>
    %add3A_241 = arith.addf %get3A_239, %add3A_240 : vector<128x64xf32>
    %transpose3A_242 = tpu.transpose %add3A_241, [1, 0] : vector<128x64xf32> -> vector<64x128xf32>
    %get3A_243 = arith.constant 0 : index
    %get3A_244 = arith.constant 1024 : index
    %get3A_245 = vector.load %arg3[%get3A_243, %get3A_244] : memref<128x2112xf32, #tpu.memory_space<vmem>>, vector<128x64xf32>
    %add3A_246 = vector.broadcast %add3A_114 : vector<1x64xf32> to vector<128x64xf32>
    %add3A_247 = arith.addf %get3A_245, %add3A_246 : vector<128x64xf32>
    %transpose3A_248 = tpu.transpose %add3A_247, [1, 0] : vector<128x64xf32> -> vector<64x128xf32>
    %get3A_249 = arith.constant 0 : index
    %get3A_250 = arith.constant 1088 : index
    %get3A_251 = vector.load %arg3[%get3A_249, %get3A_250] : memref<128x2112xf32, #tpu.memory_space<vmem>>, vector<128x64xf32>
    %add3A_252 = vector.broadcast %add3A_116 : vector<1x64xf32> to vector<128x64xf32>
    %add3A_253 = arith.addf %get3A_251, %add3A_252 : vector<128x64xf32>
    %transpose3A_254 = tpu.transpose %add3A_253, [1, 0] : vector<128x64xf32> -> vector<64x128xf32>
    %get3A_255 = arith.constant 0 : index
    %get3A_256 = arith.constant 1152 : index
    %get3A_257 = vector.load %arg3[%get3A_255, %get3A_256] : memref<128x2112xf32, #tpu.memory_space<vmem>>, vector<128x64xf32>
    %add3A_258 = vector.broadcast %add3A_118 : vector<1x64xf32> to vector<128x64xf32>
    %add3A_259 = arith.addf %get3A_257, %add3A_258 : vector<128x64xf32>
    %transpose3A_260 = tpu.transpose %add3A_259, [1, 0] : vector<128x64xf32> -> vector<64x128xf32>
    %get3A_261 = arith.constant 0 : index
    %get3A_262 = arith.constant 1216 : index
    %get3A_263 = vector.load %arg3[%get3A_261, %get3A_262] : memref<128x2112xf32, #tpu.memory_space<vmem>>, vector<128x64xf32>
    %add3A_264 = vector.broadcast %add3A_120 : vector<1x64xf32> to vector<128x64xf32>
    %add3A_265 = arith.addf %get3A_263, %add3A_264 : vector<128x64xf32>
    %transpose3A_266 = tpu.transpose %add3A_265, [1, 0] : vector<128x64xf32> -> vector<64x128xf32>
    %get3A_267 = arith.constant 0 : index
    %get3A_268 = arith.constant 1280 : index
    %get3A_269 = vector.load %arg3[%get3A_267, %get3A_268] : memref<128x2112xf32, #tpu.memory_space<vmem>>, vector<128x64xf32>
    %add3A_270 = vector.broadcast %add3A_122 : vector<1x64xf32> to vector<128x64xf32>
    %add3A_271 = arith.addf %get3A_269, %add3A_270 : vector<128x64xf32>
    %transpose3A_272 = tpu.transpose %add3A_271, [1, 0] : vector<128x64xf32> -> vector<64x128xf32>
    %get3A_273 = arith.constant 0 : index
    %get3A_274 = arith.constant 1344 : index
    %get3A_275 = vector.load %arg3[%get3A_273, %get3A_274] : memref<128x2112xf32, #tpu.memory_space<vmem>>, vector<128x64xf32>
    %add3A_276 = vector.broadcast %add3A_124 : vector<1x64xf32> to vector<128x64xf32>
    %add3A_277 = arith.addf %get3A_275, %add3A_276 : vector<128x64xf32>
    %transpose3A_278 = tpu.transpose %add3A_277, [1, 0] : vector<128x64xf32> -> vector<64x128xf32>
    %get3A_279 = arith.constant 0 : index
    %get3A_280 = arith.constant 1408 : index
    %get3A_281 = vector.load %arg3[%get3A_279, %get3A_280] : memref<128x2112xf32, #tpu.memory_space<vmem>>, vector<128x64xf32>
    %add3A_282 = vector.broadcast %add3A_126 : vector<1x64xf32> to vector<128x64xf32>
    %add3A_283 = arith.addf %get3A_281, %add3A_282 : vector<128x64xf32>
    %transpose3A_284 = tpu.transpose %add3A_283, [1, 0] : vector<128x64xf32> -> vector<64x128xf32>
    %get3A_285 = arith.constant 0 : index
    %get3A_286 = arith.constant 1472 : index
    %get3A_287 = vector.load %arg3[%get3A_285, %get3A_286] : memref<128x2112xf32, #tpu.memory_space<vmem>>, vector<128x64xf32>
    %add3A_288 = vector.broadcast %add3A_128 : vector<1x64xf32> to vector<128x64xf32>
    %add3A_289 = arith.addf %get3A_287, %add3A_288 : vector<128x64xf32>
    %transpose3A_290 = tpu.transpose %add3A_289, [1, 0] : vector<128x64xf32> -> vector<64x128xf32>
    %get3A_291 = arith.constant 0 : index
    %get3A_292 = arith.constant 1536 : index
    %get3A_293 = vector.load %arg3[%get3A_291, %get3A_292] : memref<128x2112xf32, #tpu.memory_space<vmem>>, vector<128x64xf32>
    %add3A_294 = vector.broadcast %add3A_130 : vector<1x64xf32> to vector<128x64xf32>
    %add3A_295 = arith.addf %get3A_293, %add3A_294 : vector<128x64xf32>
    %transpose3A_296 = tpu.transpose %add3A_295, [1, 0] : vector<128x64xf32> -> vector<64x128xf32>
    %get3A_297 = arith.constant 0 : index
    %get3A_298 = arith.constant 1600 : index
    %get3A_299 = vector.load %arg3[%get3A_297, %get3A_298] : memref<128x2112xf32, #tpu.memory_space<vmem>>, vector<128x64xf32>
    %add3A_300 = vector.broadcast %add3A_132 : vector<1x64xf32> to vector<128x64xf32>
    %add3A_301 = arith.addf %get3A_299, %add3A_300 : vector<128x64xf32>
    %transpose3A_302 = tpu.transpose %add3A_301, [1, 0] : vector<128x64xf32> -> vector<64x128xf32>
    %get3A_303 = arith.constant 0 : index
    %get3A_304 = arith.constant 1664 : index
    %get3A_305 = vector.load %arg3[%get3A_303, %get3A_304] : memref<128x2112xf32, #tpu.memory_space<vmem>>, vector<128x64xf32>
    %add3A_306 = vector.broadcast %add3A_134 : vector<1x64xf32> to vector<128x64xf32>
    %add3A_307 = arith.addf %get3A_305, %add3A_306 : vector<128x64xf32>
    %transpose3A_308 = tpu.transpose %add3A_307, [1, 0] : vector<128x64xf32> -> vector<64x128xf32>
    %get3A_309 = arith.constant 0 : index
    %get3A_310 = arith.constant 1728 : index
    %get3A_311 = vector.load %arg3[%get3A_309, %get3A_310] : memref<128x2112xf32, #tpu.memory_space<vmem>>, vector<128x64xf32>
    %add3A_312 = vector.broadcast %add3A_136 : vector<1x64xf32> to vector<128x64xf32>
    %add3A_313 = arith.addf %get3A_311, %add3A_312 : vector<128x64xf32>
    %transpose3A_314 = tpu.transpose %add3A_313, [1, 0] : vector<128x64xf32> -> vector<64x128xf32>
    %get3A_315 = arith.constant 0 : index
    %get3A_316 = arith.constant 1792 : index
    %get3A_317 = vector.load %arg3[%get3A_315, %get3A_316] : memref<128x2112xf32, #tpu.memory_space<vmem>>, vector<128x64xf32>
    %add3A_318 = vector.broadcast %add3A_138 : vector<1x64xf32> to vector<128x64xf32>
    %add3A_319 = arith.addf %get3A_317, %add3A_318 : vector<128x64xf32>
    %transpose3A_320 = tpu.transpose %add3A_319, [1, 0] : vector<128x64xf32> -> vector<64x128xf32>
    %get3A_321 = arith.constant 0 : index
    %get3A_322 = arith.constant 1856 : index
    %get3A_323 = vector.load %arg3[%get3A_321, %get3A_322] : memref<128x2112xf32, #tpu.memory_space<vmem>>, vector<128x64xf32>
    %add3A_324 = vector.broadcast %add3A_140 : vector<1x64xf32> to vector<128x64xf32>
    %add3A_325 = arith.addf %get3A_323, %add3A_324 : vector<128x64xf32>
    %transpose3A_326 = tpu.transpose %add3A_325, [1, 0] : vector<128x64xf32> -> vector<64x128xf32>
    %get3A_327 = arith.constant 0 : index
    %get3A_328 = arith.constant 1920 : index
    %get3A_329 = vector.load %arg3[%get3A_327, %get3A_328] : memref<128x2112xf32, #tpu.memory_space<vmem>>, vector<128x64xf32>
    %add3A_330 = vector.broadcast %add3A_142 : vector<1x64xf32> to vector<128x64xf32>
    %add3A_331 = arith.addf %get3A_329, %add3A_330 : vector<128x64xf32>
    %transpose3A_332 = tpu.transpose %add3A_331, [1, 0] : vector<128x64xf32> -> vector<64x128xf32>
    %get3A_333 = arith.constant 0 : index
    %get3A_334 = arith.constant 1984 : index
    %get3A_335 = vector.load %arg3[%get3A_333, %get3A_334] : memref<128x2112xf32, #tpu.memory_space<vmem>>, vector<128x64xf32>
    %add3A_336 = vector.broadcast %add3A_144 : vector<1x64xf32> to vector<128x64xf32>
    %add3A_337 = arith.addf %get3A_335, %add3A_336 : vector<128x64xf32>
    %transpose3A_338 = tpu.transpose %add3A_337, [1, 0] : vector<128x64xf32> -> vector<64x128xf32>
    %get3A_339 = arith.constant 0 : index
    %get3A_340 = arith.constant 2048 : index
    %get3A_341 = vector.load %arg3[%get3A_339, %get3A_340] : memref<128x2112xf32, #tpu.memory_space<vmem>>, vector<128x64xf32>
    %add3A_342 = vector.broadcast %add3A_146 : vector<1x64xf32> to vector<128x64xf32>
    %add3A_343 = arith.addf %get3A_341, %add3A_342 : vector<128x64xf32>
    %transpose3A_344 = tpu.transpose %add3A_343, [1, 0] : vector<128x64xf32> -> vector<64x128xf32>
    %concatenate3A_345 = tpu.concatenate %transpose3A_152, %transpose3A_158, %transpose3A_164, %transpose3A_170, %transpose3A_176, %transpose3A_182, %transpose3A_188, %transpose3A_194, %transpose3A_200, %transpose3A_206, %transpose3A_212, %transpose3A_218, %transpose3A_224, %transpose3A_230, %transpose3A_236, %transpose3A_242, %transpose3A_248, %transpose3A_254, %transpose3A_260, %transpose3A_266, %transpose3A_272, %transpose3A_278, %transpose3A_284, %transpose3A_290, %transpose3A_296, %transpose3A_302, %transpose3A_308, %transpose3A_314, %transpose3A_320, %transpose3A_326, %transpose3A_332, %transpose3A_338, %transpose3A_344 in 1 : vector<64x128xf32>, vector<64x128xf32>, vector<64x128xf32>, vector<64x128xf32>, vector<64x128xf32>, vector<64x128xf32>, vector<64x128xf32>, vector<64x128xf32>, vector<64x128xf32>, vector<64x128xf32>, vector<64x128xf32>, vector<64x128xf32>, vector<64x128xf32>, vector<64x128xf32>, vector<64x128xf32>, vector<64x128xf32>, vector<64x128xf32>, vector<64x128xf32>, vector<64x128xf32>, vector<64x128xf32>, vector<64x128xf32>, vector<64x128xf32>, vector<64x128xf32>, vector<64x128xf32>, vector<64x128xf32>, vector<64x128xf32>, vector<64x128xf32>, vector<64x128xf32>, vector<64x128xf32>, vector<64x128xf32>, vector<64x128xf32>, vector<64x128xf32>, vector<64x128xf32> -> vector<64x4224xf32>
    %swap3A_346 = arith.constant 0 : index
    %swap3A_347 = arith.constant 0 : index
    %swap3A_348 = arith.constant 0 : index
    %swap3A_349 = vector.load %arg2[%swap3A_346, %swap3A_347, %swap3A_348] : memref<1x64x4224xf32, #tpu.memory_space<vmem>>, vector<1x64x4224xf32>
    %swap3A_350 = vector.shape_cast %swap3A_349 : vector<1x64x4224xf32> to vector<64x4224xf32>
    %swap3A_351 = vector.shape_cast %concatenate3A_345 : vector<64x4224xf32> to vector<1x64x4224xf32>
    tpu.vector_store %arg2[%swap3A_346, %swap3A_347, %swap3A_348], %swap3A_351 {strides = array<i32>} : memref<1x64x4224xf32, #tpu.memory_space<vmem>>, vector<1x64x4224xf32>,
    return
  }
  func.func @transform_0(%arg0: i32) -> (i32, i32, i32) {
    %c0_i32 = arith.constant 0 : i32
    %c0_i32_0 = arith.constant 0 : i32
    %c0_i32_1 = arith.constant 0 : i32
    return %arg0, %c0_i32, %c0_i32_0 : i32, i32, i32
  }
  func.func @transform_1(%arg0: i32) -> (i32, i32, i32) {
    %c0_i32 = arith.constant 0 : i32
    %c0_i32_0 = arith.constant 0 : i32
    %c0_i32_1 = arith.constant 0 : i32
    return %arg0, %c0_i32, %c0_i32_0 : i32, i32, i32
  }
}

module attributes {stable_mosaic.version = 14 : i64} {
  func.func @_select_kernel(%arg0: i32, %arg1: memref<64x4096xf32, #tpu.memory_space<vmem>>, %arg2: memref<64x128xi32, #tpu.memory_space<vmem>>) attributes {dimension_semantics = [#tpu.dimension_semantics<arbitrary>], iteration_bounds = array<i64: 32>, scalar_prefetch = 0 : i64, scratch_operands = 0 : i64, tpu.core_type = #tpu.core_type<tc>, window_params = [{transform_indices = @transform_0, window_bounds = array<i64: 64, 4096>}, {transform_indices = @transform_1, window_bounds = array<i64: 64, 128>}]} {
    %get3A = arith.constant 0 : index
    %get3A_0 = arith.constant 0 : index
    %get3A_1 = vector.load %arg1[%get3A, %get3A_0] : memref<64x4096xf32, #tpu.memory_space<vmem>>, vector<64x4096xf32>
    %iota3A = tpu.iota {dimensions = array<i32: 1>} : vector<64x4096xi32>
    %eq3A = arith.constant 0 : i32
    %eq3A_2 = vector.broadcast %eq3A : i32 to vector<64x4096xi32>
    %eq3A_3 = arith.cmpi eq, %iota3A, %eq3A_2 : vector<64x4096xi32>
    %jit3A = arith.constant 0xFF800000 : f32
    %broadcast_in_dim3A = vector.broadcast %jit3A : f32 to vector<64x4096xf32>
    %select_n3A = arith.select %eq3A_3, %broadcast_in_dim3A, %get3A_1 : vector<64x4096xi1>, vector<64x4096xf32>
    %reduce_max3A = arith.constant dense<0xFF800000> : vector<64xf32>
    %reduce_max3A_4 = vector.multi_reduction <maximumf>, %select_n3A, %reduce_max3A [1] : vector<64x4096xf32> to vector<64xf32>
    %broadcast_in_dim3A_5 = vector.shape_cast %reduce_max3A_4 : vector<64xf32> to vector<64x1xf32>
    %iota3A_6 = tpu.iota {dimensions = array<i32: 1>} : vector<64x4096xi32>
    %eq3A_7 = vector.broadcast %broadcast_in_dim3A_5 : vector<64x1xf32> to vector<64x4096xf32>
    %eq3A_8 = arith.cmpf oeq, %select_n3A, %eq3A_7 : vector<64x4096xf32>
    %jit3A_9 = arith.constant 4096 : i32
    %broadcast_in_dim3A_10 = vector.broadcast %jit3A_9 : i32 to vector<64x4096xi32>
    %select_n3A_11 = arith.select %eq3A_8, %iota3A_6, %broadcast_in_dim3A_10 : vector<64x4096xi1>, vector<64x4096xi32>
    %reduce_min3A = arith.constant dense<2147483647> : vector<64xi32>
    %reduce_min3A_12 = vector.multi_reduction <minsi>, %select_n3A_11, %reduce_min3A [1] : vector<64x4096xi32> to vector<64xi32>
    %broadcast_in_dim3A_13 = vector.shape_cast %reduce_min3A_12 : vector<64xi32> to vector<64x1xi32>
    %eq3A_14 = vector.broadcast %broadcast_in_dim3A_13 : vector<64x1xi32> to vector<64x4096xi32>
    %eq3A_15 = arith.cmpi eq, %iota3A, %eq3A_14 : vector<64x4096xi32>
    %jit3A_16 = arith.constant 0xFF800000 : f32
    %broadcast_in_dim3A_17 = vector.broadcast %jit3A_16 : f32 to vector<64x4096xf32>
    %select_n3A_18 = arith.select %eq3A_15, %broadcast_in_dim3A_17, %select_n3A : vector<64x4096xi1>, vector<64x4096xf32>
    %reduce_max3A_19 = arith.constant dense<0xFF800000> : vector<64xf32>
    %reduce_max3A_20 = vector.multi_reduction <maximumf>, %select_n3A_18, %reduce_max3A_19 [1] : vector<64x4096xf32> to vector<64xf32>
    %broadcast_in_dim3A_21 = vector.shape_cast %reduce_max3A_20 : vector<64xf32> to vector<64x1xf32>
    %iota3A_22 = tpu.iota {dimensions = array<i32: 1>} : vector<64x4096xi32>
    %eq3A_23 = vector.broadcast %broadcast_in_dim3A_21 : vector<64x1xf32> to vector<64x4096xf32>
    %eq3A_24 = arith.cmpf oeq, %select_n3A_18, %eq3A_23 : vector<64x4096xf32>
    %jit3A_25 = arith.constant 4096 : i32
    %broadcast_in_dim3A_26 = vector.broadcast %jit3A_25 : i32 to vector<64x4096xi32>
    %select_n3A_27 = arith.select %eq3A_24, %iota3A_22, %broadcast_in_dim3A_26 : vector<64x4096xi1>, vector<64x4096xi32>
    %reduce_min3A_28 = arith.constant dense<2147483647> : vector<64xi32>
    %reduce_min3A_29 = vector.multi_reduction <minsi>, %select_n3A_27, %reduce_min3A_28 [1] : vector<64x4096xi32> to vector<64xi32>
    %broadcast_in_dim3A_30 = vector.shape_cast %reduce_min3A_29 : vector<64xi32> to vector<64x1xi32>
    %broadcast_in_dim3A_31 = vector.shape_cast %broadcast_in_dim3A_13 : vector<64x1xi32> to vector<64x1xi32>
    %broadcast_in_dim3A_32 = vector.broadcast %broadcast_in_dim3A_31 : vector<64x1xi32> to vector<64x16xi32>
    %broadcast_in_dim3A_33 = vector.shape_cast %broadcast_in_dim3A_30 : vector<64x1xi32> to vector<64x1xi32>
    %broadcast_in_dim3A_34 = vector.broadcast %broadcast_in_dim3A_33 : vector<64x1xi32> to vector<64x16xi32>
    %broadcast_in_dim3A_35 = arith.constant 0 : i32
    %broadcast_in_dim3A_36 = vector.broadcast %broadcast_in_dim3A_35 : i32 to vector<64x96xi32>
    %concatenate3A = tpu.concatenate %broadcast_in_dim3A_32, %broadcast_in_dim3A_34, %broadcast_in_dim3A_36 in 1 : vector<64x16xi32>, vector<64x16xi32>, vector<64x96xi32> -> vector<64x128xi32>
    %swap3A = arith.constant 0 : index
    %swap3A_37 = arith.constant 0 : index
    %swap3A_38 = vector.load %arg2[%swap3A, %swap3A_37] : memref<64x128xi32, #tpu.memory_space<vmem>>, vector<64x128xi32>
    tpu.vector_store %arg2[%swap3A, %swap3A_37], %concatenate3A {strides = array<i32>} : memref<64x128xi32, #tpu.memory_space<vmem>>, vector<64x128xi32>,
    return
  }
  func.func @transform_0(%arg0: i32) -> (i32, i32) {
    %c0_i32 = arith.constant 0 : i32
    %c0_i32_0 = arith.constant 0 : i32
    return %arg0, %c0_i32 : i32, i32
  }
  func.func @transform_1(%arg0: i32) -> (i32, i32) {
    %c0_i32 = arith.constant 0 : i32
    %c0_i32_0 = arith.constant 0 : i32
    return %arg0, %c0_i32 : i32, i32
  }
}

module attributes {stable_mosaic.version = 14 : i64} {
  func.func @_mix_kernel(%arg0: i32, %arg1: memref<1x64x4096xf32, #tpu.memory_space<vmem>>, %arg2: memref<1x64x4096xf32, #tpu.memory_space<vmem>>, %arg3: memref<64x64xf32, #tpu.memory_space<vmem>>, %arg4: memref<64x1xf32, #tpu.memory_space<vmem>>, %arg5: memref<1x64x4096xf32, #tpu.memory_space<vmem>>) attributes {dimension_semantics = [#tpu.dimension_semantics<arbitrary>], iteration_bounds = array<i64: 32>, scalar_prefetch = 0 : i64, scratch_operands = 0 : i64, tpu.core_type = #tpu.core_type<tc>, window_params = [{transform_indices = @transform_0, window_bounds = array<i64: 1, 64, 4096>}, {transform_indices = @transform_1, window_bounds = array<i64: 1, 64, 4096>}, {pipeline_mode = #tpu.pipeline_mode<synchronous>, transform_indices = @transform_2, window_bounds = array<i64: 64, 64>}, {pipeline_mode = #tpu.pipeline_mode<synchronous>, transform_indices = @transform_3, window_bounds = array<i64: 64, 1>}, {transform_indices = @transform_4, window_bounds = array<i64: 1, 64, 4096>}]} {
    %get3A = arith.constant 0 : index
    %get3A_0 = arith.constant 0 : index
    %get3A_1 = vector.load %arg3[%get3A, %get3A_0] : memref<64x64xf32, #tpu.memory_space<vmem>>, vector<64x64xf32>
    %get3A_2 = arith.constant 0 : index
    %get3A_3 = arith.constant 0 : index
    %get3A_4 = arith.constant 0 : index
    %get3A_5 = vector.load %arg1[%get3A_2, %get3A_3, %get3A_4] : memref<1x64x4096xf32, #tpu.memory_space<vmem>>, vector<1x64x4096xf32>
    %get3A_6 = vector.shape_cast %get3A_5 : vector<1x64x4096xf32> to vector<64x4096xf32>
    %get3A_7 = arith.constant 0 : index
    %get3A_8 = arith.constant 0 : index
    %get3A_9 = arith.constant 0 : index
    %get3A_10 = vector.load %arg2[%get3A_7, %get3A_8, %get3A_9] : memref<1x64x4096xf32, #tpu.memory_space<vmem>>, vector<1x64x4096xf32>
    %get3A_11 = vector.shape_cast %get3A_10 : vector<1x64x4096xf32> to vector<64x4096xf32>
    %add3A = arith.addf %get3A_6, %get3A_11 : vector<64x4096xf32>
    %dot_general3A = arith.constant dense<0.000000e+00> : vector<64x4096xf32>
    %dot_general3A_12 = tpu.matmul %get3A_1, %add3A, %dot_general3A {dimension_numbers = #tpu.dot_dimension_numbers<[1], [0], [0], [1], [0, 0, 1, 1], [], []>, precision = #tpu.contract_precision<fp32>, transpose_lhs_hint = false} : vector<64x64xf32>, vector<64x4096xf32>, vector<64x4096xf32> -> vector<64x4096xf32>
    %get3A_13 = arith.constant 0 : index
    %get3A_14 = arith.constant 0 : index
    %get3A_15 = vector.load %arg4[%get3A_13, %get3A_14] : memref<64x1xf32, #tpu.memory_space<vmem>>, vector<64x1xf32>
    %add3A_16 = vector.broadcast %get3A_15 : vector<64x1xf32> to vector<64x4096xf32>
    %add3A_17 = arith.addf %dot_general3A_12, %add3A_16 : vector<64x4096xf32>
    %swap3A = arith.constant 0 : index
    %swap3A_18 = arith.constant 0 : index
    %swap3A_19 = arith.constant 0 : index
    %swap3A_20 = vector.load %arg5[%swap3A, %swap3A_18, %swap3A_19] : memref<1x64x4096xf32, #tpu.memory_space<vmem>>, vector<1x64x4096xf32>
    %swap3A_21 = vector.shape_cast %swap3A_20 : vector<1x64x4096xf32> to vector<64x4096xf32>
    %swap3A_22 = vector.shape_cast %add3A_17 : vector<64x4096xf32> to vector<1x64x4096xf32>
    tpu.vector_store %arg5[%swap3A, %swap3A_18, %swap3A_19], %swap3A_22 {strides = array<i32>} : memref<1x64x4096xf32, #tpu.memory_space<vmem>>, vector<1x64x4096xf32>,
    return
  }
  func.func @transform_0(%arg0: i32) -> (i32, i32, i32) {
    %c0_i32 = arith.constant 0 : i32
    %c0_i32_0 = arith.constant 0 : i32
    %c0_i32_1 = arith.constant 0 : i32
    return %arg0, %c0_i32, %c0_i32_0 : i32, i32, i32
  }
  func.func @transform_1(%arg0: i32) -> (i32, i32, i32) {
    %c0_i32 = arith.constant 0 : i32
    %c0_i32_0 = arith.constant 0 : i32
    %c0_i32_1 = arith.constant 0 : i32
    return %arg0, %c0_i32, %c0_i32_0 : i32, i32, i32
  }
  func.func @transform_2(%arg0: i32) -> (i32, i32) {
    %c0_i32 = arith.constant 0 : i32
    %c0_i32_0 = arith.constant 0 : i32
    %c0_i32_1 = arith.constant 0 : i32
    return %c0_i32, %c0_i32_0 : i32, i32
  }
  func.func @transform_3(%arg0: i32) -> (i32, i32) {
    %c0_i32 = arith.constant 0 : i32
    %c0_i32_0 = arith.constant 0 : i32
    %c0_i32_1 = arith.constant 0 : i32
    return %c0_i32, %c0_i32_0 : i32, i32
  }
  func.func @transform_4(%arg0: i32) -> (i32, i32, i32) {
    %c0_i32 = arith.constant 0 : i32
    %c0_i32_0 = arith.constant 0 : i32
    %c0_i32_1 = arith.constant 0 : i32
    return %arg0, %c0_i32, %c0_i32_0 : i32, i32, i32
  }
}

</mosaic_0001>

<sc_bundles>
// kernel: kernel.6.cloned.1.call-start
scs
__scs_entry_jumppad:
0x0: {  	(pc) =	sbr.rel $0x88, $3  }
0x1: {  	(tag) =	ssettag $0x0;
	lr =	simm.s32 $0x1  }
0x2: {  	[smem:$0x3F9E] =	sst lr;
	_ =	strace $0xD0000000  }
0x3: {  	_ = 	snop  }
0x4: {  	_ = 	snop  }
0x5: {  	_ = 	snop  }
0x6: {  	_ = 	snop  }
0x7: {  	_ = 	snop  }
__scs_overlays_trampoline_lowered:
0x8: {  	[smem:$0x3FAD] =	sst s0  }
0x9: {  	[smem:$0x3FAE] =	sst s1  }
0xa: {  	[smem:$0x3FAF] =	sst s2  }
0xb: {  	[smem:$0x3FB0] =	sst s3  }
0xc: {  	[smem:$0x3FB1] =	sst s4  }
0xd: {  	[smem:$0x3FB2] =	sst s5  }
0xe: {  	[smem:$0x3FB3] =	sst s6  }
0xf: {  	[smem:$0x3FB4] =	sst s7  }
0x10: {  	[smem:$0x3FB5] =	sst s8  }
0x11: {  	[smem:$0x3FB6] =	sst s9;
	s0 =	simm.s32 @!p0 $0x0  }
0x12: {  	s1 =	sld [smem:$0x3F9C];
	s0 =	simm.s32 @p0 $0x1  }
0x13: {  	[smem:$0x3FB7] =	sst s0;
	s0 =	simm.s32 @!p1 $0x0  }
0x14: {  	s2 =	sld [smem:$0x3F9B];
	s0 =	simm.s32 @p1 $0x1  }
0x15: {  	[smem:$0x3FB8] =	sst s0;
	s0 =	simm.s32 @!p2 $0x0  }
0x16: {  	s3 =	sld [smem:$0x3FDB];
	s0 =	simm.s32 @p2 $0x1  }
0x17: {  	s4 =	simm.s32 $0x1BF5;
	[smem:$0x3FBA] =	sst s0  }
0x18: {  	s0 =	sld [smem:$0x3F9D];
	_ =	swait.ge [sflag:s4], $0x0  }
0x19: {  	s7 =	sld [smem:$0x3F9E]  }
0x1a: {  	s8 =	sadd.s32 $0xFFFFE003, lr  }
0x1b: {  	s9 =	sadd.s32 $0xFFFFFEF7, lr;
	s5 =	simm.s32 $0xFFFFFFFF;
	p2 =	slt.u32 s8, $0xFFFFF086  }
0x1c: {  	p1 =	slt.u32 s9, $0xF7A;
	s5 =	simm.s32 @!p2 $0x0  }
0x1d: {  	s5 =	simm.s32 @p1 $0x1;
	p0 =	seq.s32 s7, s2  }
0x1e: {  	s7 =	smul.u32 @!p0 $0xF7A, s2;
	p2 =	seq.s32 @!p0 s5, $0x0  }
0x1f: {  	s9 =	smul.u32 $0xF7A, s1;
	s8 =	simm.s32 @!p0 $0x1BF5;
	p2 =	por !p2, p0  }
0x20: {  	[sflag:s8] =	ssyncset.s32 @!p0 $0xFFFFF086;
	s6 =	sadd.s32 @!p0 s3, s7;
	s7 =	simm.s32 @!p0 $0x108  }
0x21: {  	s3 =	sadd.s32 s3, s9;
	s6 =	sadd.s32 @!p0 $0x88, s6;
	s7 =	simm.s32 @p2 $0x1082  }
0x22: {  	[simem:s7], [sflag:s8] =	dma.local @!p0 [hbm:s6], $0xF7A  }
0x23: {  	s9 =	sor.u32 $0xD0000000, s2;
	s6 =	simm.s32 $0x108;
	_ =	swait.ge @!p0 [sflag:s8], $0x0  }
0x24: {  	s3 =	sadd.s32 $0x88, s3;
	s6 =	simm.s32 @!p1 $0x1082;
	[sflag:s4] =	ssyncset.s32 $0xFFFFF086  }
0x25: {  	[simem:s6], [sflag:s4] =	dma.local [hbm:s3], $0xF7A  }
0x26: {  	[smem:$0x3F9E] =	sst s1;
	(tag) =	ssettag s2;
	_ =	strace s9  }
0x27: {  	s1 =	sld [smem:$0x3FAE]  }
0x28: {  	s2 =	sld [smem:$0x3FAF]  }
0x29: {  	s4 =	sld [smem:$0x3FB1]  }
0x2a: {  	p0 =	seq.s32 s5, $0x0;
	s5 =	sld [smem:$0x3FB2]  }
0x2b: {  	s6 =	sld [smem:$0x3FB3]  }
0x2c: {  	s7 =	sld [smem:$0x3FB4]  }
0x2d: {  	s3 =	simm.s32 $0x108;
	s8 =	sld [smem:$0x3FB5]  }
0x2e: {  	s3 =	simm.s32 @!p0 $0x1082;
	s9 =	sld [smem:$0x3FB6]  }
0x2f: {  	lr =	sadd.s32 s0, s3;
	s0 =	sld [smem:$0x3FAD]  }
0x30: {  	s3 =	sld [smem:$0x3FB0]  }
0x31: {  	[smem:$0x3FB9] =	sst s10  }
0x32: {  	s10 =	sld [smem:$0x3FB7];
	_ =	sdelay $0x3  }
0x33: {  	p0 =	seq.s32 s10, $0x1;
	s10 =	sld [smem:$0x3FB9];
	_ =	sdelay $0x3  }
0x34: {  	[smem:$0x3FB9] =	sst s10  }
0x35: {  	s10 =	sld [smem:$0x3FB8];
	_ =	sdelay $0x3  }
0x36: {  	p1 =	seq.s32 s10, $0x1;
	s10 =	sld [smem:$0x3FB9];
	_ =	sdelay $0x3  }
0x37: {  	[smem:$0x3FB9] =	sst s10  }
0x38: {  	s10 =	sld [smem:$0x3FBA]  }
0x39: {  	_ = 	snop;
	(pc) =	sbr.ind lr, $3  }
0x3a: {  	_ = 	snop  }
0x3b: {  	_ = 	snop  }
0x3c: {  	p2 =	seq.s32 s10, $0x1;
	s10 =	sld [smem:$0x3FB9]  }
0x3d: {  	_ =	shalt  }
0x3e: {  	_ =	shalt  }
0x3f: {  	_ =	shalt  }
0x40: {  	_ =	shalt  }
0x41: {  	_ =	shalt  }
0x42: {  	_ =	shalt  }
0x43: {  	_ =	shalt  }
0x44: {  	_ =	shalt  }
0x45: {  	_ =	shalt  }
0x46: {  	_ =	shalt  }
0x47: {  	_ =	shalt  }
0x48: {  	_ =	shalt  }
0x49: {  	_ =	shalt  }
0x4a: {  	_ =	shalt  }
0x4b: {  	_ =	shalt  }
0x4c: {  	_ =	shalt  }
0x4d: {  	_ =	shalt  }
0x4e: {  	_ =	shalt  }
0x4f: {  	_ =	shalt  }
0x50: {  	_ =	shalt  }
0x51: {  	_ =	shalt  }
0x52: {  	_ =	shalt  }
0x53: {  	_ =	shalt  }
0x54: {  	_ =	shalt  }
0x55: {  	_ =	shalt  }
0x56: {  	_ =	shalt  }
0x57: {  	_ =	shalt  }
0x58: {  	_ =	shalt  }
0x59: {  	_ =	shalt  }
0x5a: {  	_ =	shalt  }
0x5b: {  	_ =	shalt  }
0x5c: {  	_ =	shalt  }
0x5d: {  	_ =	shalt  }
0x5e: {  	_ =	shalt  }
0x5f: {  	_ =	shalt  }
0x60: {  	_ =	shalt  }
0x61: {  	_ =	shalt  }
0x62: {  	_ =	shalt  }
0x63: {  	_ =	shalt  }
0x64: {  	_ =	shalt  }
0x65: {  	_ =	shalt  }
0x66: {  	_ =	shalt  }
0x67: {  	_ =	shalt  }
0x68: {  	_ =	shalt  }
0x69: {  	_ =	shalt  }
0x6a: {  	_ =	shalt  }
0x6b: {  	_ =	shalt  }
0x6c: {  	_ =	shalt  }
0x6d: {  	_ =	shalt  }
0x6e: {  	_ =	shalt  }
0x6f: {  	_ =	shalt  }
0x70: {  	_ =	shalt  }
0x71: {  	_ =	shalt  }
0x72: {  	_ =	shalt  }
0x73: {  	_ =	shalt  }
0x74: {  	_ =	shalt  }
0x75: {  	_ =	shalt  }
0x76: {  	_ =	shalt  }
0x77: {  	_ =	shalt  }
0x78: {  	_ =	shalt  }
0x79: {  	_ =	shalt  }
0x7a: {  	_ =	shalt  }
0x7b: {  	_ =	shalt  }
0x7c: {  	_ =	shalt  }
0x7d: {  	_ =	shalt  }
0x7e: {  	_ =	shalt  }
0x7f: {  	_ =	shalt  }
0x80: {  	_ =	shalt  }
0x81: {  	_ =	shalt  }
0x82: {  	_ =	shalt  }
0x83: {  	_ =	shalt  }
0x84: {  	_ =	shalt  }
0x85: {  	_ =	shalt  }
0x86: {  	_ =	shalt  }
0x87: {  	_ =	shalt  }
.Lfunc_end0:
.L_simem_size_0:
called_computation.7_lowered:
.L_overlay_start_0:
0x88: {  	s2 =	sld [smem:$0x3FD9]  }
0x89: {  	s3 =	sld [smem:$0x3FFE];
	_ =	sdelay $0x1  }
0x8a: {  	s1 =	srdreg.scid  }
0x8b: {  	s0 =	sand.u32 $0x1, s1  }
0x8c: {  	s14 =	sshll.u32 s0, $0xA;
	s2 =	sadd.s32 s3, s2  }
0x8d: {  	s2 =	sadd.s32 s2, s14  }
0x8e: {  	[smem:$0x3FC5] =	sst s2  }
0x8f: {  	_ = 	snop  }
0x90: {  	s2 =	sld [smem:$0x3FD0];
	_ =	sdelay $0x2  }
0x91: {  	s15 =	simm.s32 $0xC;
	s4 =	simm.s32 $0x10  }
0x92: {  	[smem:s4], [sflag:s15] =	dma.local [hbm:s2], $0x1  }
0x93: {  	_ =	swait.eq [sflag:s15], $0x1  }
0x94: {  	[sflag:s15] =	ssyncset.done $0x0  }
0x95: {  	s16 =	sld [smem:$0x10];
	[sflag:s15] =	ssyncadd.s32 $0xFFFFFFFF  }
0x96: {  	s17 =	sld [smem:$0x12];
	(tm) =	ssettm $0x1  }
0x97: {  	s18 =	sld [smem:$0x3FFB];
	_ =	sdelay $0x3  }
0x98: {  	_ =	strace s18  }
0x99: {  	s4 =	sld [smem:$0x3FFC];
	_ =	sdelay $0x3  }
0x9a: {  	_ =	strace s4  }
0x9b: {  	s4 =	sld [smem:$0x3FFD];
	_ =	sdelay $0x3  }
0x9c: {  	_ =	strace s4  }
0x9d: {  	_ =	strace $0x8FFFFFFF  }
0x9e: {  	s19 =	sld [smem:$0x3FDB];
	_ =	sdelay $0x1  }
0x9f: {  	s5 =	simm.s32 $_scs_section_size  }
0xa0: {  	s6 =	simm.s32 $_size__tile_overlayer_lowered;
	s7 =	simm.s32 $_tile_overlayer_lowered  }
0xa1: {  	s22 =	simm.s32 $0x1BFF;
	s21 =	sshll.u32 s7, $0x1;
	s4 =	sadd.s32 s5, s19  }
0xa2: {  	s8 =	simm.s32 $0x0;
	s20 =	sshll.u32 s6, $0x1;
	s6 =	sadd.s32 s21, s4  }
0xa3: {  	[timem:s8], [sflag:s22] =	dma.local [hbm:s6], s20  }
0xa4: {  	_ =	swait.ge [sflag:s22], s20  }
0xa5: {  	s5 =	ssub.s32 $0x0, s20;
	[sflag:s22] =	ssyncset.done $0x0  }
0xa6: {  	[sflag:s22] =	ssyncadd.s32 s5;
	_ =	sdelay $0x1  }
0xa7: {  	s23 =	simm.s32 $0x1B8B  }
0xa8: {  	_ =	swait.ge [sflag:s23], $0x1  }
0xa9: {  	[sflag:s23] =	ssyncset.done $0x0  }
0xaa: {  	s25 =	simm.s32 $0x1B8E;
	s24 =	sld [smem:$0x3FFE];
	[sflag:s23] =	ssyncadd.s32 $0xFFFFFFFF  }
0xab: {  	s26 =	simm.s32 $execute0_lowered;
	[smem:$0x3FD2] =	sst s25  }
0xac: {  	s6 =	sshll.u32 s26, $0x1;
	_ =	strace $0x8000005B;
	[dreg:$0x1] =	wrdreg $0xFFFFFFFF  }
0xad: {  	s28 =	simm.s32 $_size_execute0_lowered;
	s4 =	sadd.s32 s4, s6;
	[dreg:$0x0] =	wrdreg $0x0  }
0xae: {  	s6 =	sshll.u32 s28, $0x1;
	[dreg:$0x2] =	wrdreg s4  }
0xaf: {  	[dreg:$0x3] =	wrdreg s6  }
0xb0: {  	[dreg:$0x4] =	wrdreg $0xC0  }
0xb1: {  	_ =	task [dreg:s8], $0x5FFFF  }
0xb2: {  	[dreg:$0x1] =	wrdreg $0xFFFFFFFF  }
0xb3: {  	[dreg:$0x0] =	wrdreg $0x60  }
0xb4: {  	[dreg:$0x2] =	wrdreg s16  }
0xb5: {  	[dreg:$0x3] =	wrdreg s24  }
0xb6: {  	[dreg:$0x4] =	wrdreg s17  }
0xb7: {  	[dreg:$0x5] =	wrdreg $0x9  }
0xb8: {  	_ =	task.clear_ibuf [dreg:s8], $0x6FFFF;
	_ =	strace $0x9000005B  }
0xb9: {  	s29 =	simm.s32 $0x9;
	_ =	strace $0x8000005D  }
0xba: {  	_ =	swait.ge [sflag:s29], $0x1  }
0xbb: {  	[sflag:s29] =	ssyncadd.s32 $0xFFFFFFFF  }
0xbc: {  	_ =	strace $0x9000005D  }
0xbd: {  	_ =	sfence  }
0xbe: {  	s30 =	sld [smem:$0x0];
	_ =	sdelay $0x2  }
0xbf: {  	s31 =	sshll.u32 s1, $0xD;
	s1 =	sshrl.u32 s1, $0x2  }
0xc0: {  	s3 =	sand.u32 $0x4000, s31;
	s1 =	sadd.s32 s1, s30  }
0xc1: {  	s0 =	sor.u32 s3, s0;
	s1 =	sshll.u32 s1, $0x11  }
0xc2: {  	s0 =	sor.u32 s1, s0  }
0xc3: {  	s0 =	sadd.s32 $0x8F2B, s0  }
0xc4: {  	[sflag:s0] =	ssyncadd.remote.s32 $0x1  }
0xc5: {  	_ =	sfence.sel $0xFFFF  }
0xc6: {  	[dreg:$0x0] =	wrdreg $0xFFFFFFFF;
	(pc) =	sbr.abs _section_cstart, $3  }
0xc7: {  	[dreg:$0x1] =	wrdreg $0xFFFFFFFF  }
0xc8: {  	_ =	task.clear_ibuf [dreg:s8], $0x2FFFF;
	_ =	strace $0x9FFFFFFF  }
0xc9: {  	(tm) =	ssettm $0x7FFFFFFF  }
tec
execute0_lowered:
.L_overlay_start_1:
0x0: {  	(tag) =	ssettag $0x1  }
0x1: {  	s1 =	rddreg [dreg:$0x0]  }
0x2: {  	s5 =	rddreg [dreg:$0x1]  }
0x3: {  	s2 =	rddreg [dreg:$0x2]  }
0x4: {  	s4 =	srdreg.scid;
	s0 =	rddreg [dreg:$0x3];
	s3 =	simm.s32 $0x0  }
0x5: {  	s9 =	simm.s32 $0x400;
	s10 =	simm.s32 $0x1;
	s11 =	simm.s32 $0x2000  }
0x6: {  	s12 =	simm.s32 $0x1000;
	s13 =	simm.s32 $0x0;
	s6 =	sand.u32 $0x1, s4  }
0x7: {  	[smem:$0x7FF] =	sst s3;
	s4 =	stileid.u32;
	s7 =	ssub.s32 $0x2, s6  }
0x8: {  	s5 =	sadd.s32 $0x5800, s5;
	_ =	strace $0x8000005C;
	s8 =	sshrl.u32 s7, $0x1  }
0x9: {  	s31 =	sshll.u32 s4, $0x7;
	s6 =	sshll.u32 s6, $0x6;
	s7 =	ssub.s32 s7, s8  }
0xa: {  	v0 =	vlaneseq.u32;
	s6 =	sor.u32 s6, s31;
	s8 =	simm.s32 $0x80;
	s7 =	smax.u32 s7, $0x1  }
.LBB2_1:
0xb: {  	s14 =	simm.s32 $0x0  }
.LBB2_2:
0xc: {  	s15 =	sadd.s32 s6, s14  }
0xd: {  	s26 =	sshll.u32 s14, $0x7;
	s16 =	sshrl.u32 s15, $0x3  }
0xe: {  	s18 =	sand.u32 $0x380, s26;
	s17 =	sshll.u32 s16, $0xF  }
0xf: {  	s15 =	sor.u32 s18, s17  }
0x10: {  	s15 =	sshrl.u32 s15, $0x3  }
0x11: {  	s19 =	simm.s32 $0x0;
	s16 =	sshll.u32 s16, $0xA;
	s28 =	sadd.s32 s1, s15  }
0x12: {  	[tilespmem:s19], [sflag:$0x1] =	stream.strided.gather [hbm4b:s28+s8], $0x1000, s9, s8, $0x38;
	[tilespmem:$0x2080] =	vst v63  }
0x13: {  	s16 =	sor.u32 s18, s16;
	_ =	swait.ge [sflag:s10], $0x1000  }
0x14: {  	s16 =	sshrl.u32 s16, $0x3;
	[sflag:s10] =	ssyncset.done $0x0  }
0x15: {  	s16 =	sadd.s32 s5, s16;
	[sflag:s10] =	ssyncadd.s32 $0xFFFFF000  }
0x16: {  	[tilespmem:s11], [sflag:$0x1] =	stream.linear.gather [hbm4b:s16+s19], $0x80, $0x38;
	[tilespmem:$0x2080] =	vst v63  }
0x17: {  	_ =	swait.ge [sflag:s10], $0x80  }
0x18: {  	[sflag:s10] =	ssyncset.done $0x0  }
0x19: {  	[sflag:s10] =	ssyncadd.s32 $0xFFFFFF80  }
0x1a: {  	v1 =	vld [tilespmem:$0x2000];
	_ =	sdelay $0x1  }
0x1b: {  	v2 =	vld [tilespmem:$0x2010];
	_ =	sdelay $0x1  }
0x1c: {  	v3 =	vor.u32 s19, v0  }
0x1d: {  	v4 =	vsub.s32 v3, v1  }
0x1e: {  	vm0 =	vgt.s32 v4, $0x0  }
0x1f: {  	v3 =	vsub.s32 v3, v2;
	v5 =	vnsel vm0, $0x0, v4  }
0x20: {  	vm0 =	vgt.s32 v3, $0x0  }
0x21: {  	v6 =	vnsel vm0, $0x0, v3;
	_ =	sdelay $0x2  }
0x22: {  	s16 =	simm.s32 $0x20;
	v5 =	vld.idx.msk [tilespmem:v5+s3+$0x0], $0xffff  }
0x23: {  	v7 =	vld [tilespmem:s16+$0xFFFFFFE0]  }
0x24: {  	v6 =	vld.idx.msk [tilespmem:v6+s3+$0x0], $0xffff;
	_ =	sdelay $0x1  }
0x25: {  	s29 =	simm.s32 $0x10;
	vm0 =	vgt.s32 v4, $0xFFFFFFFF  }
0x26: {  	v4 =	vnsel vm0, $0x0, v5;
	v5 =	vor.u32 s29, v0  }
0x27: {  	vm0 =	vgt.s32 v3, $0xFFFFFFFF;
	v4 =	vadd.f32 v7, v4;
	v3 =	vsub.s32 v5, v1  }
0x28: {  	v6 =	vnsel vm0, $0x0, v6;
	vm0 =	vgt.s32 v3, $0x0  }
0x29: {  	v5 =	vsub.s32 v5, v2;
	v4 =	vadd.f32 v4, v6;
	v6 =	vnsel vm0, $0x0, v3  }
0x2a: {  	vm0 =	vgt.s32 v5, $0x0  }
0x2b: {  	v7 =	vnsel vm0, $0x0, v5;
	v4 =	vmul.f32 $3.333333430e-01, v4  }
0x2c: {  	s17 =	simm.s32 $0x1020  }
0x2d: {  	[tilespmem:s17+$0xFFFFFFE0] =	vst v4  }
0x2e: {  	v4 =	vld.idx.msk [tilespmem:v6+s3+$0x0], $0xffff  }
0x2f: {  	v6 =	vld [tilespmem:s16+$0xFFFFFFF0]  }
0x30: {  	v7 =	vld.idx.msk [tilespmem:v7+s3+$0x0], $0xffff;
	_ =	sdelay $0x1  }
0x31: {  	s30 =	simm.s32 $0x20;
	vm0 =	vgt.s32 v3, $0xFFFFFFFF  }
0x32: {  	v3 =	vnsel vm0, $0x0, v4;
	v4 =	vor.u32 s30, v0  }
0x33: {  	vm0 =	vgt.s32 v5, $0xFFFFFFFF;
	v3 =	vadd.f32 v6, v3;
	v5 =	vsub.s32 v4, v1  }
0x34: {  	v6 =	vnsel vm0, $0x0, v7;
	vm0 =	vgt.s32 v5, $0x0  }
0x35: {  	v4 =	vsub.s32 v4, v2;
	v3 =	vadd.f32 v3, v6;
	v6 =	vnsel vm0, $0x0, v5  }
0x36: {  	vm0 =	vgt.s32 v4, $0x0  }
0x37: {  	v7 =	vnsel vm0, $0x0, v4;
	v3 =	vmul.f32 $3.333333430e-01, v3;
	_ =	sdelay $0x1  }
0x38: {  	[tilespmem:s17+$0xFFFFFFF0] =	vst v3  }
0x39: {  	v3 =	vld.idx.msk [tilespmem:v6+s3+$0x0], $0xffff  }
0x3a: {  	v6 =	vld [tilespmem:s16+$0x0]  }
0x3b: {  	v7 =	vld.idx.msk [tilespmem:v7+s3+$0x0], $0xffff;
	_ =	sdelay $0x1  }
0x3c: {  	s31 =	simm.s32 $0x30;
	vm0 =	vgt.s32 v5, $0xFFFFFFFF  }
0x3d: {  	v5 =	vor.u32 s31, v0;
	v3 =	vnsel vm0, $0x0, v3  }
0x3e: {  	v8 =	vsub.s32 v5, v1;
	vm0 =	vgt.s32 v4, $0xFFFFFFFF;
	v3 =	vadd.f32 v6, v3  }
0x3f: {  	v4 =	vnsel vm0, $0x0, v7;
	vm0 =	vgt.s32 v8, $0x0  }
0x40: {  	v4 =	vadd.f32 v3, v4;
	v3 =	vsub.s32 v5, v2;
	v5 =	vnsel vm0, $0x0, v8  }
0x41: {  	vm0 =	vgt.s32 v3, $0x0  }
0x42: {  	v4 =	vmul.f32 $3.333333430e-01, v4;
	v7 =	vnsel vm0, $0x0, v3;
	_ =	sdelay $0x1  }
0x43: {  	[tilespmem:s17+$0x0] =	vst v4  }
0x44: {  	v6 =	vld.idx.msk [tilespmem:v5+s3+$0x0], $0xffff  }
0x45: {  	v5 =	vld [tilespmem:s16+$0x10]  }
0x46: {  	v4 =	vld.idx.msk [tilespmem:v7+s3+$0x0], $0xffff;
	_ =	sdelay $0x1  }
0x47: {  	s18 =	simm.s32 $0x0;
	s19 =	simm.s32 $0x40;
	vm0 =	vgt.s32 v8, $0xFFFFFFFF  }
.LBB2_3:
0x48: {  	v7 =	vor.u32 s19, v0;
	s18 =	sadd.s32 $0x4, s18;
	v6 =	vnsel vm0, $0x0, v6  }
0x49: {  	vm0 =	vgt.s32 v3, $0xFFFFFFFF;
	v8 =	vsub.s32 v7, v1;
	p0 =	slt.u32 s18, $0xFC;
	v5 =	vadd.f32 v5, v6  }
0x4a: {  	v3 =	vnsel vm0, $0x0, v4;
	vm1 =	vgt.s32 v8, $0x0  }
0x4b: {  	v4 =	vsub.s32 v7, v2;
	v6 =	vnsel vm1, $0x0, v8;
	v3 =	vadd.f32 v5, v3  }
0x4c: {  	vm0 =	vgt.s32 v4, $0x0  }
0x4d: {  	v5 =	vnsel vm0, $0x0, v4;
	v3 =	vmul.f32 $3.333333430e-01, v3;
	_ =	sdelay $0x1  }
0x4e: {  	[tilespmem:s17+$0x10] =	vst v3  }
0x4f: {  	s16 =	sadd.s32 $0x40, s16;
	v3 =	vld.idx.msk [tilespmem:v6+s3+$0x0], $0xffff  }
0x50: {  	v6 =	vld [tilespmem:s16+$0xFFFFFFE0]  }
0x51: {  	v5 =	vld.idx.msk [tilespmem:v5+s3+$0x0], $0xffff;
	_ =	sdelay $0x2  }
0x52: {  	s20 =	sadd.s32 $0x10, s19;
	vm0 =	vgt.s32 v8, $0xFFFFFFFF  }
0x53: {  	v7 =	vor.u32 s20, v0;
	v3 =	vnsel vm0, $0x0, v3  }
0x54: {  	vm0 =	vgt.s32 v4, $0xFFFFFFFF;
	v4 =	vsub.s32 v7, v1;
	v3 =	vadd.f32 v6, v3  }
0x55: {  	v6 =	vsub.s32 v7, v2;
	v5 =	vnsel vm0, $0x0, v5;
	vm0 =	vgt.s32 v4, $0x0  }
0x56: {  	v3 =	vadd.f32 v3, v5;
	v5 =	vnsel vm0, $0x0, v4;
	vm0 =	vgt.s32 v6, $0x0  }
0x57: {  	v7 =	vnsel vm0, $0x0, v6  }
0x58: {  	v3 =	vmul.f32 $3.333333430e-01, v3  }
0x59: {  	s17 =	sadd.s32 $0x40, s17  }
0x5a: {  	[tilespmem:s17+$0xFFFFFFE0] =	vst v3  }
0x5b: {  	v3 =	vld.idx.msk [tilespmem:v5+s3+$0x0], $0xffff  }
0x5c: {  	v5 =	vld.idx.msk [tilespmem:v7+s3+$0x0], $0xffff  }
0x5d: {  	v7 =	vld [tilespmem:s16+$0xFFFFFFF0];
	_ =	sdelay $0x2  }
0x5e: {  	s20 =	sadd.s32 $0x20, s19;
	vm0 =	vgt.s32 v4, $0xFFFFFFFF  }
0x5f: {  	v4 =	vor.u32 s20, v0;
	v3 =	vnsel vm0, $0x0, v3  }
0x60: {  	vm0 =	vgt.s32 v6, $0xFFFFFFFF;
	v6 =	vsub.s32 v4, v1;
	v3 =	vadd.f32 v7, v3  }
0x61: {  	v4 =	vsub.s32 v4, v2;
	v5 =	vnsel vm0, $0x0, v5;
	vm0 =	vgt.s32 v6, $0x0  }
0x62: {  	v3 =	vadd.f32 v3, v5;
	v5 =	vnsel vm0, $0x0, v6;
	vm0 =	vgt.s32 v4, $0x0  }
0x63: {  	v7 =	vnsel vm0, $0x0, v4  }
0x64: {  	v3 =	vmul.f32 $3.333333430e-01, v3;
	_ =	sdelay $0x1  }
0x65: {  	[tilespmem:s17+$0xFFFFFFF0] =	vst v3  }
0x66: {  	v3 =	vld.idx.msk [tilespmem:v5+s3+$0x0], $0xffff  }
0x67: {  	v5 =	vld.idx.msk [tilespmem:v7+s3+$0x0], $0xffff  }
0x68: {  	v7 =	vld [tilespmem:s16+$0x0];
	_ =	sdelay $0x2  }
0x69: {  	s20 =	sadd.s32 $0x30, s19;
	vm0 =	vgt.s32 v6, $0xFFFFFFFF  }
0x6a: {  	v6 =	vor.u32 s20, v0;
	v3 =	vnsel vm0, $0x0, v3  }
0x6b: {  	vm0 =	vgt.s32 v4, $0xFFFFFFFF;
	v3 =	vadd.f32 v7, v3;
	v7 =	vsub.s32 v6, v1  }
0x6c: {  	v4 =	vnsel vm0, $0x0, v5;
	vm0 =	vgt.s32 v7, $0x0  }
0x6d: {  	v4 =	vadd.f32 v3, v4;
	v3 =	vsub.s32 v6, v2;
	v5 =	vnsel vm0, $0x0, v7  }
0x6e: {  	vm0 =	vgt.s32 v3, $0x0  }
0x6f: {  	v4 =	vmul.f32 $3.333333430e-01, v4;
	v8 =	vnsel vm0, $0x0, v3;
	_ =	sdelay $0x1  }
0x70: {  	[tilespmem:s17+$0x0] =	vst v4  }
0x71: {  	v6 =	vld.idx.msk [tilespmem:v5+s3+$0x0], $0xffff  }
.Ltmp0:
0x72: {  	v5 =	vld [tilespmem:s16+$0x10];
	(pc) =	sbr.rel @p0 .LBB2_3-.Ltmp0, $2  }
0x73: {  	v4 =	vld.idx.msk [tilespmem:v8+s3+$0x0], $0xffff;
	_ =	sdelay $0x2  }
0x74: {  	s19 =	sadd.s32 $0x40, s19;
	vm0 =	vgt.s32 v7, $0xFFFFFFFF  }
0x75: {  	v1 =	vnsel vm0, $0x0, v6  }
0x76: {  	vm15 =	vgt.s32 v3, $0xFFFFFFFF;
	v1 =	vadd.f32 v5, v1  }
0x77: {  	v2 =	vnsel vm15, $0x0, v4  }
0x78: {  	v1 =	vadd.f32 v1, v2;
	_ =	sdelay $0x1  }
0x79: {  	s14 =	sadd.s32 $0x1, s14;
	v1 =	vmul.f32 $3.333333430e-01, v1  }
0x7a: {  	p0 =	sne.s32 s14, $0x40  }
.Ltmp1:
0x7b: {  	s15 =	sadd.s32 s2, s15;
	[tilespmem:s17+$0x10] =	vst v1;
	(pc) =	sbr.rel @p0 .LBB2_2-.Ltmp1, $4  }
0x7c: {  	[hbm4b:s15+s8] =	stream.strided.scatter [tilespmem:s12], [sflag:$0x1], $0x1000, s9, s8, $0x38;
	[tilespmem:$0x2080] =	vst v63  }
0x7d: {  	_ =	swait.ge [sflag:s10], $0x1000  }
0x7e: {  	[sflag:s10] =	ssyncset.done $0x0  }
0x7f: {  	[sflag:s10] =	ssyncadd.s32 $0xFFFFF000  }
0x80: {  	s13 =	sadd.s32 $0x1, s13  }
0x81: {  	p0 =	sne.s32 s13, s7  }
.Ltmp2:
0x82: {  	_ = 	snop;
	(pc) =	sbr.rel @p0 .LBB2_1-.Ltmp2, $1  }
0x83: {  	_ =	sdelay $0x3  }
0x84: {  	_ =	sfence.sel $0x180000  }
0x85: {  	[bflag:$0x0] =	sbarrier.arrive $0xFFFF  }
0x86: {  	p0 =	sne.s32 s4, $0x0;
	_ =	strace $0x9000005C  }
0x87: {  	s0 =	sadd.s32 @!p0 $0x100000, s0;
	[bflag:$0x2] =	sbarrier.arrive $0xFFFF  }
0x88: {  	[sflag:s0] =	ssyncadd.tile.s32 @!p0 $0x1;
	_ =	shalt  }
.Lfunc_end2:
_tile_overlayer_lowered:
.L_overlay_start_2:
0x89: {  	(tag) =	ssettag $0x2  }
0x8a: {  	s0 =	rddreg [dreg:$0x0];
	s2 =	stileid.u32  }
0x8b: {  	s1 =	rddreg [dreg:$0x1];
	p0 =	sne.s32 s2, $0x0  }
0x8c: {  	s3 =	rddreg [dreg:$0x2];
	[bflag:$0x3] =	sbarrier.arrive $0xFFFF;
	s2 =	simm.s32 @!p0 $0x1C01  }
0x8d: {  	[timem:s3], [sflag:s2] =	dma.local @!p0 [hbm:s0], s1  }
0x8e: {  	s0 =	simm.s32 @!p0 $0x1  }
0x8f: {  	_ =	swait.ge @!p0 [sflag:s0], s1  }
0x90: {  	s1 =	ssub.s32 @!p0 $0x0, s1;
	[sflag:s0] =	ssyncset.done @!p0 $0x0  }
0x91: {  	[sflag:s0] =	ssyncadd.s32 @!p0 s1  }
0x92: {  	[bflag:$0x3] =	sbarrier.arrive $0xFFFF  }
0x93: {  	_ =	shalt  }

// kernel: sparse-core-data-format-call.1.cloned.1.call-start
scs
called_computation.1_lowered:
.L_overlay_start_0:
0x0: {  	s2 =	sld [smem:$0x3FD9]  }
0x1: {  	s3 =	sld [smem:$0x3FFE];
	_ =	sdelay $0x1  }
0x2: {  	s1 =	srdreg.scid  }
0x3: {  	s0 =	sand.u32 $0x1, s1  }
0x4: {  	s18 =	sshll.u32 s0, $0xA;
	s2 =	sadd.s32 s3, s2  }
0x5: {  	s2 =	sadd.s32 s2, s18  }
0x6: {  	[smem:$0x3FC5] =	sst s2  }
0x7: {  	_ = 	snop  }
0x8: {  	(tm) =	ssettm $0x1  }
0x9: {  	s19 =	sld [smem:$0x3FFB];
	_ =	sdelay $0x3  }
0xa: {  	_ =	strace s19  }
0xb: {  	s2 =	sld [smem:$0x3FFC];
	_ =	sdelay $0x3  }
0xc: {  	_ =	strace s2  }
0xd: {  	s2 =	sld [smem:$0x3FFD];
	_ =	sdelay $0x3  }
0xe: {  	_ =	strace s2  }
0xf: {  	_ =	strace $0x8FFFFFFF  }
0x10: {  	s20 =	sld [smem:$0x3FDB];
	_ =	sdelay $0x1  }
0x11: {  	s21 =	simm.s32 $_scs_section_size  }
0x12: {  	s4 =	simm.s32 $_size__tile_overlayer_lowered;
	s5 =	simm.s32 $_tile_overlayer_lowered  }
0x13: {  	s6 =	simm.s32 $0x1BFF;
	s22 =	sshll.u32 s5, $0x1;
	s3 =	sadd.s32 s21, s20  }
0x14: {  	s23 =	simm.s32 $0x0;
	s4 =	sshll.u32 s4, $0x1;
	s5 =	sadd.s32 s22, s3  }
0x15: {  	[timem:s23], [sflag:s6] =	dma.local [hbm:s5], s4  }
0x16: {  	_ =	swait.ge [sflag:s6], s4  }
0x17: {  	s4 =	ssub.s32 $0x0, s4;
	[sflag:s6] =	ssyncset.done $0x0  }
0x18: {  	[sflag:s6] =	ssyncadd.s32 s4;
	_ =	sdelay $0x1  }
0x19: {  	s24 =	simm.s32 $0x1B8B  }
0x1a: {  	_ =	swait.ge [sflag:s24], $0x1  }
0x1b: {  	[sflag:s24] =	ssyncset.done $0x0  }
0x1c: {  	[sflag:s24] =	ssyncadd.s32 $0xFFFFFFFF  }
0x1d: {  	s4 =	sld [smem:$0x0]  }
0x1e: {  	s5 =	sand.u32 $0xFFFFFFFE, s1  }
0x1f: {  	p0 =	sne.s32 s1, s5  }
0x20: {  	s5 =	sshll.u32 @p0 s5, $0xE  }
0x21: {  	s5 =	sadd.s32 @p0 $0x11B8D, s5;
	s6 =	sshll.u32 @p0 s4, $0x11  }
0x22: {  	s5 =	sor.u32 @p0 s6, s5  }
0x23: {  	[sflag:s5] =	ssyncadd.remote.s32 @p0 $0x1;
	_ =	sdelay $0x1  }
0x24: {  	s5 =	simm.s32 @p0 $0x1B8D  }
0x25: {  	_ =	swait.eq @p0 [sflag:s5], $0x1  }
0x26: {  	[sflag:s5] =	ssyncadd.s32 @p0 $0xFFFFFFFF  }
0x27: {  	s6 =	sshll.u32 @!p0 s1, $0xE  }
0x28: {  	s6 =	sor.u32 @!p0 $0x4000, s6;
	s5 =	simm.s32 @!p0 $0x1B8D  }
0x29: {  	s4 =	sshll.u32 @!p0 s4, $0x11;
	s6 =	sadd.s32 @!p0 $0x11B8D, s6;
	_ =	swait.eq @!p0 [sflag:s5], $0x1  }
0x2a: {  	s4 =	sor.u32 @!p0 s4, s6;
	[sflag:s5] =	ssyncadd.s32 @!p0 $0xFFFFFFFF  }
0x2b: {  	s26 =	simm.s32 $0x1B8E;
	s25 =	sld [smem:$0x3FFE];
	[sflag:s4] =	ssyncadd.remote.s32 @!p0 $0x1  }
0x2c: {  	s27 =	simm.s32 $execute0_lowered;
	[smem:$0x3FD2] =	sst s26  }
0x2d: {  	s5 =	sshll.u32 s27, $0x1;
	_ =	strace $0x80000052;
	[dreg:$0x1] =	wrdreg $0xFFFFFFFF  }
0x2e: {  	s28 =	simm.s32 $_size_execute0_lowered;
	s3 =	sadd.s32 s3, s5;
	[dreg:$0x0] =	wrdreg $0x0  }
0x2f: {  	s5 =	sshll.u32 s28, $0x1;
	[dreg:$0x2] =	wrdreg s3  }
0x30: {  	[dreg:$0x3] =	wrdreg s5  }
0x31: {  	[dreg:$0x4] =	wrdreg $0xC0  }
0x32: {  	_ =	task [dreg:s23], $0x5FFFF  }
0x33: {  	[dreg:$0x1] =	wrdreg $0xFFFFFFFF  }
0x34: {  	[dreg:$0x0] =	wrdreg $0x60  }
0x35: {  	[dreg:$0x2] =	wrdreg s25  }
0x36: {  	[dreg:$0x3] =	wrdreg $0x9  }
0x37: {  	_ =	task.clear_ibuf [dreg:s23], $0x4FFFF;
	_ =	strace $0x90000052  }
0x38: {  	s29 =	simm.s32 $0x9;
	_ =	strace $0x80000054  }
0x39: {  	_ =	swait.ge [sflag:s29], $0x1  }
0x3a: {  	[sflag:s29] =	ssyncadd.s32 $0xFFFFFFFF  }
0x3b: {  	_ =	strace $0x90000054  }
0x3c: {  	_ =	sfence  }
0x3d: {  	s30 =	sld [smem:$0x0];
	_ =	sdelay $0x2  }
0x3e: {  	s31 =	sshll.u32 s1, $0xD;
	s1 =	sshrl.u32 s1, $0x2  }
0x3f: {  	s4 =	sand.u32 $0x4000, s31;
	s1 =	sadd.s32 s1, s30  }
0x40: {  	s0 =	sor.u32 s4, s0;
	s1 =	sshll.u32 s1, $0x11  }
0x41: {  	s0 =	sor.u32 s1, s0  }
0x42: {  	s0 =	sadd.s32 $0x8F2B, s0  }
0x43: {  	[sflag:s0] =	ssyncadd.remote.s32 $0x1  }
0x44: {  	_ =	sfence.sel $0xFFFF  }
0x45: {  	[dreg:$0x0] =	wrdreg $0xFFFFFFFF;
	(pc) =	sbr.abs _section_cstart, $3  }
0x46: {  	[dreg:$0x1] =	wrdreg $0xFFFFFFFF  }
0x47: {  	_ =	task.clear_ibuf [dreg:s23], $0x2FFFF;
	_ =	strace $0x9FFFFFFF  }
0x48: {  	(tm) =	ssettm $0x7FFFFFFF  }
0x49: {  	_ =	shalt  }
tec
execute0_lowered:
.L_overlay_start_1:
0x0: {  	(tag) =	ssettag $0x1  }
0x1: {  	s0 =	stileid.u32;
	s7 =	rddreg [dreg:$0x0]  }
0x2: {  	s3 =	srdreg.scid;
	s1 =	rddreg [dreg:$0x1];
	_ =	strace $0x80000053  }
0x3: {  	s31 =	simm.s32 $0x2;
	s16 =	simm.s32 $0x0;
	s14 =	simm.s32 $0x0  }
0x4: {  	s15 =	simm.s32 $0x0;
	s11 =	simm.s32 $0x0;
	s2 =	sshll.u32 s0, $0x1  }
0x5: {  	s13 =	simm.s32 $0x0;
	s3 =	sand.u32 $0x1, s3;
	s4 =	ssub.s32 $0x20, s2  }
0x6: {  	s6 =	ssub.s32 $0x20, s3;
	s10 =	smov.u32 s3;
	s5 =	sand.u32 $0x1E, s4  }
0x7: {  	s4 =	sshrl.u32 s4, $0x5;
	p0 =	sne.s32 s5, $0x0;
	s5 =	simm.s32 $0x1  }
.Ltmp0:
0x8: {  	s8 =	sshrl.u32 s6, $0x1;
	s5 =	simm.s32 @!p0 $0x0;
	(pc) =	sbr.rel .LBB1_1-.Ltmp0, $4  }
0x9: {  	s12 =	smov.u32 s2;
	s6 =	ssub.s32 s6, s8;
	s9 =	sadd.s32 s5, s4  }
0xa: {  	p0 =	por $0x0, $0x0;
	s5 =	simm.s32 $0x1;
	s6 =	smul.u32 s6, s9  }
0xb: {  	s4 =	sadd.s32 $0x207800, s7;
	s7 =	sadd.s32 $0x707800, s7;
	[sflag:s5] =	ssyncpa.u1 $0x0  }
0xc: {  	s9 =	simm.s32 $0x1000;
	[sflag:s31] =	ssyncpa.u1 $0x0;
	s8 =	sadd.s32 $0x1, s6  }
.LBB1_7:
0xd: {  	s17 =	sadd.s32 $0x2, s10  }
0xe: {  	s14 =	sadd.s32 $0x80, s11;
	s18 =	smov.u32 s11;
	p2 =	sgt.s32 s17, $0x1F  }
0xf: {  	s18 =	smov.u32 @p2 s14  }
0x10: {  	s20 =	smov.u32 s12;
	s14 =	sadd.s32 $0x20, s12;
	p3 =	sgt.s32 s18, $0x7F  }
0x11: {  	s20 =	smov.u32 @p3 s14  }
0x12: {  	s17 =	smov.u32 @p2 s3;
	p2 =	sgt.s32 s20, $0x1F  }
0x13: {  	p1 =	slt.u32 s13, $0x2;
	s20 =	smov.u32 @p2 s2;
	p2 =	sne.s32 s13, s8  }
.Ltmp1:
0x14: {  	s19 =	simm.s32 @!p1 $0x2;
	(pc) =	sbr.rel @!p2 .LBB1_8-.Ltmp1, $4  }
0x15: {  	s16 =	smov.u32 s10;
	s15 =	smov.u32 s12;
	_ =	swait.ge @!p1 [sflag:s19], $0x4000  }
0x16: {  	p0 =	por !p0, !p0;
	[sflag:s19] =	ssyncset.done @!p1 $0x0;
	s10 =	smov.u32 s17  }
0x17: {  	s18 =	simm.s32 @p3 $0x0;
	s14 =	smov.u32 s11;
	[sflag:s19] =	ssyncadd.s32 @!p1 $0xFFFFC000  }
0x18: {  	s11 =	smov.u32 s18;
	s13 =	sadd.s32 $0x1, s13;
	s12 =	smov.u32 s20  }
.LBB1_1:
0x19: {  	p1 =	sge.u32 s13, s6;
	s31 =	sadd.s32 $0xFFFFFFFF, s13  }
0x1a: {  	s17 =	sxor.u32 @!p1 $0xFFFFFFFF, s13;
	s18 =	sshll.u32 @!p1 s12, $0x10;
	s19 =	sshll.u32 @!p1 s11, $0x9  }
0x1b: {  	s20 =	sshll.u32 @!p1 s10, $0x4;
	s17 =	sshll.u32 @!p1 s17, $0xE;
	s18 =	sadd.s32 @!p1 s4, s18  }
0x1c: {  	s20 =	sand.u32 @!p1 $0x1F0, s20;
	s17 =	sand.u32 @!p1 $0x4000, s17;
	s18 =	sadd.s32 @!p1 s19, s18  }
0x1d: {  	s19 =	simm.s32 @!p1 $0x40;
	s18 =	sadd.s32 @!p1 s20, s18;
	s20 =	simm.s32 @!p1 $0x1000  }
0x1e: {  	[tilespmem:s17], [sflag:$0x1] =	stream.strided.gather @!p1 [hbm4b:s18+s19], $0x4000, s20, s19, $0x38;
	[tilespmem:$0x10100] =	vst v63  }
0x1f: {  	p1 =	sge.u32 s31, s6  }
.Ltmp2:
0x20: {  	_ = 	snop;
	(pc) =	sbr.rel @p1 .LBB1_7-.Ltmp2, $1  }
0x21: {  	_ =	sdelay $0x3  }
0x22: {  	s17 =	simm.s32 $0x1;
	s19 =	sand.u32 $0x1, s13  }
0x23: {  	_ =	swait.ge [sflag:s5], $0x4000;
	s17 =	simm.s32 @!p0 $0x0;
	s19 =	smul.u32 $0x10200, s19  }
0x24: {  	p2 =	por $0x1, $0x1;
	[sflag:s5] =	ssyncset.done $0x0;
	s18 =	smul.u32 $0x10200, s17  }
0x25: {  	s20 =	sshll.u32 s17, $0x10;
	[sflag:s5] =	ssyncadd.s32 $0xFFFFC000;
	s30 =	sshrl.u32 s19, $0x2  }
0x26: {  	s31 =	sshrl.u32 s20, $0x2;
	s20 =	simm.s32 $0x0;
	s18 =	sshrl.u32 s18, $0x2  }
0x27: {  	s17 =	sor.u32 $0x8000, s30;
	s19 =	sadd.s32 $0x20, s31;
	s18 =	sor.u32 $0x8000, s18  }
.LBB1_3:
0x28: {  	s21 =	sshll.u32 s20, $0xD  }
0x29: {  	s21 =	sand.u32 $0x3FFFE000, s21  }
0x2a: {  	s23 =	sadd.s32 s21, s19  }
0x2b: {  	s31 =	smul.u32 $0x8100, s20;
	v3 =	vld [tilespmem:s23+$0x10]  }
0x2c: {  	v1 =	vld [tilespmem:s23+$0xFFFFFFF0]  }
0x2d: {  	s20 =	sshra.s32 s31, $0x2;
	v0 =	vld [tilespmem:s23+$0x0]  }
0x2e: {  	s20 =	sadd.s32 s20, s18;
	v2 =	vld [tilespmem:s23+$0xFFFFFFE0]  }
0x2f: {  	s21 =	sadd.s32 $0x0, s20  }
0x30: {  	p1 =	por p2, p2;
	s22 =	simm.s32 $0x4;
	s23 =	sadd.s32 $0x40, s23;
	[tilespmem:s21+$0x1830 ss:$0x81] =	vst.msk $0xffff, v3  }
.LBB1_4:
0x31: {  	v3 =	vld [tilespmem:s23+$0x10];
	p2 =	sne.s32 s22, $0x1FC;
	[tilespmem:s21+$0x810 ss:$0x81] =	vst.msk $0xffff, v1;
	s24 =	smov.u32 s22;
	s22 =	sadd.s32 $0x4, s22  }
.Ltmp3:
0x32: {  	v1 =	vld [tilespmem:s23+$0xFFFFFFF0];
	[tilespmem:s21+$0x1020 ss:$0x81] =	vst.msk $0xffff, v0;
	(pc) =	sbr.rel @p2 .LBB1_4-.Ltmp3, $4  }
0x33: {  	v0 =	vld [tilespmem:s23+$0x0];
	[tilespmem:s21+$0x0 ss:$0x81] =	vst.msk $0xffff, v2  }
0x34: {  	s21 =	sshra.s32 s24, $0x2;
	v2 =	vld [tilespmem:s23+$0xFFFFFFE0]  }
0x35: {  	s21 =	sadd.s32 s21, s20  }
0x36: {  	s23 =	sadd.s32 $0x40, s23;
	[tilespmem:s21+$0x1830 ss:$0x81] =	vst.msk $0xffff, v3  }
.Ltmp4:
0x37: {  	(pc) =	sbr.rel @p1 .LBB1_3-.Ltmp4, $4  }
0x38: {  	_ = 	snop  }
0x39: {  	[tilespmem:s21+$0x810 ss:$0x81] =	vst.msk $0xffff, v1  }
0x3a: {  	[tilespmem:s21+$0x1020 ss:$0x81] =	vst.msk $0xffff, v0  }
0x3b: {  	s20 =	simm.s32 $0x1;
	p2 =	por $0x0, $0x0;
	[tilespmem:s21+$0x0 ss:$0x81] =	vst.msk $0xffff, v2  }
0x3c: {  	s16 =	sshll.u32 s16, $0x7;
	s18 =	sshll.u32 s14, $0x3  }
0x3d: {  	s15 =	sshll.u32 s15, $0xF;
	s19 =	sand.u32 $0xC00, s16;
	s18 =	sand.u32 $0xC00, s18  }
0x3e: {  	s30 =	sshrl.u32 s14, $0x3;
	s16 =	sand.u32 $0x380, s16;
	s18 =	sadd.s32 s18, s19  }
.Ltmp5:
0x3f: {  	s31 =	sand.u32 $0x7, s14;
	s16 =	sor.u32 s16, s18;
	(pc) =	sbr.rel .LBB1_7-.Ltmp5, $4  }
0x40: {  	s15 =	sadd.s32 s7, s15;
	s18 =	sand.u32 $0xF, s30;
	s16 =	sshrl.u32 s16, $0x3  }
0x41: {  	s14 =	sshll.u32 s31, $0x12;
	s15 =	sadd.s32 s18, s15;
	s16 =	sand.u32 $0x1F0, s16  }
0x42: {  	s14 =	sor.u32 $0x80, s14;
	s15 =	sadd.s32 s16, s15  }
0x43: {  	[hbm4b:s15+s14] =	stream.strided.scatter [tilespmem:s17], [sflag:$0x2], $0x4000, s9, s14, $0x20;
	[tilespmem:$0x10100] =	vst v63  }
.LBB1_8:
0x44: {  	_ =	sfence.sel $0x180000  }
0x45: {  	s2 =	simm.s32 $0x1;
	[bflag:$0x0] =	sbarrier.arrive $0xFFFF  }
0x46: {  	s31 =	simm.s32 $0x2;
	[sflag:s2] =	ssyncpa.u1 $0x1  }
0x47: {  	[sflag:s31] =	ssyncpa.u1 $0x1  }
0x48: {  	p0 =	sne.s32 s0, $0x0;
	_ =	strace $0x90000053  }
0x49: {  	s0 =	sadd.s32 @!p0 $0x100000, s1;
	[bflag:$0x2] =	sbarrier.arrive $0xFFFF  }
0x4a: {  	[sflag:s0] =	ssyncadd.tile.s32 @!p0 $0x1;
	_ =	shalt  }
.Lfunc_end1:
_tile_overlayer_lowered:
.L_overlay_start_2:
0x4b: {  	(tag) =	ssettag $0x2  }
0x4c: {  	s0 =	rddreg [dreg:$0x0];
	s2 =	stileid.u32  }
0x4d: {  	s1 =	rddreg [dreg:$0x1];
	p0 =	sne.s32 s2, $0x0  }
0x4e: {  	s3 =	rddreg [dreg:$0x2];
	[bflag:$0x3] =	sbarrier.arrive $0xFFFF;
	s2 =	simm.s32 @!p0 $0x1C01  }
0x4f: {  	[timem:s3], [sflag:s2] =	dma.local @!p0 [hbm:s0], s1  }
0x50: {  	s0 =	simm.s32 @!p0 $0x1  }
0x51: {  	_ =	swait.ge @!p0 [sflag:s0], s1  }
0x52: {  	s1 =	ssub.s32 @!p0 $0x0, s1;
	[sflag:s0] =	ssyncset.done @!p0 $0x0  }
0x53: {  	[sflag:s0] =	ssyncadd.s32 @!p0 s1  }
0x54: {  	[bflag:$0x3] =	sbarrier.arrive $0xFFFF  }
0x55: {  	_ =	shalt  }

// kernel: sparse-core-data-format-call.2.cloned.1.call-start
scs
called_computation.2_lowered:
.L_overlay_start_0:
0x0: {  	s2 =	sld [smem:$0x3FD9]  }
0x1: {  	s3 =	sld [smem:$0x3FFE];
	_ =	sdelay $0x1  }
0x2: {  	s1 =	srdreg.scid  }
0x3: {  	s0 =	sand.u32 $0x1, s1  }
0x4: {  	s18 =	sshll.u32 s0, $0xA;
	s2 =	sadd.s32 s3, s2  }
0x5: {  	s2 =	sadd.s32 s2, s18  }
0x6: {  	[smem:$0x3FC5] =	sst s2  }
0x7: {  	_ = 	snop  }
0x8: {  	(tm) =	ssettm $0x1  }
0x9: {  	s19 =	sld [smem:$0x3FFB];
	_ =	sdelay $0x3  }
0xa: {  	_ =	strace s19  }
0xb: {  	s2 =	sld [smem:$0x3FFC];
	_ =	sdelay $0x3  }
0xc: {  	_ =	strace s2  }
0xd: {  	s2 =	sld [smem:$0x3FFD];
	_ =	sdelay $0x3  }
0xe: {  	_ =	strace s2  }
0xf: {  	_ =	strace $0x8FFFFFFF  }
0x10: {  	s20 =	sld [smem:$0x3FDB];
	_ =	sdelay $0x1  }
0x11: {  	s21 =	simm.s32 $_scs_section_size  }
0x12: {  	s4 =	simm.s32 $_size__tile_overlayer_lowered;
	s5 =	simm.s32 $_tile_overlayer_lowered  }
0x13: {  	s6 =	simm.s32 $0x1BFF;
	s22 =	sshll.u32 s5, $0x1;
	s3 =	sadd.s32 s21, s20  }
0x14: {  	s23 =	simm.s32 $0x0;
	s4 =	sshll.u32 s4, $0x1;
	s5 =	sadd.s32 s22, s3  }
0x15: {  	[timem:s23], [sflag:s6] =	dma.local [hbm:s5], s4  }
0x16: {  	_ =	swait.ge [sflag:s6], s4  }
0x17: {  	s4 =	ssub.s32 $0x0, s4;
	[sflag:s6] =	ssyncset.done $0x0  }
0x18: {  	[sflag:s6] =	ssyncadd.s32 s4;
	_ =	sdelay $0x1  }
0x19: {  	s24 =	simm.s32 $0x1B8B  }
0x1a: {  	_ =	swait.ge [sflag:s24], $0x1  }
0x1b: {  	[sflag:s24] =	ssyncset.done $0x0  }
0x1c: {  	[sflag:s24] =	ssyncadd.s32 $0xFFFFFFFF  }
0x1d: {  	s4 =	sld [smem:$0x0]  }
0x1e: {  	s5 =	sand.u32 $0xFFFFFFFE, s1  }
0x1f: {  	p0 =	sne.s32 s1, s5  }
0x20: {  	s5 =	sshll.u32 @p0 s5, $0xE  }
0x21: {  	s5 =	sadd.s32 @p0 $0x11B8D, s5;
	s6 =	sshll.u32 @p0 s4, $0x11  }
0x22: {  	s5 =	sor.u32 @p0 s6, s5  }
0x23: {  	[sflag:s5] =	ssyncadd.remote.s32 @p0 $0x1;
	_ =	sdelay $0x1  }
0x24: {  	s5 =	simm.s32 @p0 $0x1B8D  }
0x25: {  	_ =	swait.eq @p0 [sflag:s5], $0x1  }
0x26: {  	[sflag:s5] =	ssyncadd.s32 @p0 $0xFFFFFFFF  }
0x27: {  	s6 =	sshll.u32 @!p0 s1, $0xE  }
0x28: {  	s6 =	sor.u32 @!p0 $0x4000, s6;
	s5 =	simm.s32 @!p0 $0x1B8D  }
0x29: {  	s4 =	sshll.u32 @!p0 s4, $0x11;
	s6 =	sadd.s32 @!p0 $0x11B8D, s6;
	_ =	swait.eq @!p0 [sflag:s5], $0x1  }
0x2a: {  	s4 =	sor.u32 @!p0 s4, s6;
	[sflag:s5] =	ssyncadd.s32 @!p0 $0xFFFFFFFF  }
0x2b: {  	s26 =	simm.s32 $0x1B8E;
	s25 =	sld [smem:$0x3FFE];
	[sflag:s4] =	ssyncadd.remote.s32 @!p0 $0x1  }
0x2c: {  	s27 =	simm.s32 $execute0_lowered;
	[smem:$0x3FD2] =	sst s26  }
0x2d: {  	s5 =	sshll.u32 s27, $0x1;
	_ =	strace $0x80000055;
	[dreg:$0x1] =	wrdreg $0xFFFFFFFF  }
0x2e: {  	s28 =	simm.s32 $_size_execute0_lowered;
	s3 =	sadd.s32 s3, s5;
	[dreg:$0x0] =	wrdreg $0x0  }
0x2f: {  	s5 =	sshll.u32 s28, $0x1;
	[dreg:$0x2] =	wrdreg s3  }
0x30: {  	[dreg:$0x3] =	wrdreg s5  }
0x31: {  	[dreg:$0x4] =	wrdreg $0xC0  }
0x32: {  	_ =	task [dreg:s23], $0x5FFFF  }
0x33: {  	[dreg:$0x1] =	wrdreg $0xFFFFFFFF  }
0x34: {  	[dreg:$0x0] =	wrdreg $0x60  }
0x35: {  	[dreg:$0x2] =	wrdreg s25  }
0x36: {  	[dreg:$0x3] =	wrdreg $0xA  }
0x37: {  	_ =	task.clear_ibuf [dreg:s23], $0x4FFFF;
	_ =	strace $0x90000055  }
0x38: {  	s29 =	simm.s32 $0xA;
	_ =	strace $0x80000057  }
0x39: {  	_ =	swait.ge [sflag:s29], $0x1  }
0x3a: {  	[sflag:s29] =	ssyncadd.s32 $0xFFFFFFFF  }
0x3b: {  	_ =	strace $0x90000057  }
0x3c: {  	_ =	sfence  }
0x3d: {  	s30 =	sld [smem:$0x0];
	_ =	sdelay $0x2  }
0x3e: {  	s31 =	sshll.u32 s1, $0xD;
	s1 =	sshrl.u32 s1, $0x2  }
0x3f: {  	s4 =	sand.u32 $0x4000, s31;
	s1 =	sadd.s32 s1, s30  }
0x40: {  	s0 =	sor.u32 s4, s0;
	s1 =	sshll.u32 s1, $0x11  }
0x41: {  	s0 =	sor.u32 s1, s0  }
0x42: {  	s0 =	sadd.s32 $0x8F2B, s0  }
0x43: {  	[sflag:s0] =	ssyncadd.remote.s32 $0x1  }
0x44: {  	_ =	sfence.sel $0xFFFF  }
0x45: {  	[dreg:$0x0] =	wrdreg $0xFFFFFFFF;
	(pc) =	sbr.abs _section_cstart, $3  }
0x46: {  	[dreg:$0x1] =	wrdreg $0xFFFFFFFF  }
0x47: {  	_ =	task.clear_ibuf [dreg:s23], $0x2FFFF;
	_ =	strace $0x9FFFFFFF  }
0x48: {  	(tm) =	ssettm $0x7FFFFFFF  }
0x49: {  	_ =	shalt  }
tec
execute0_lowered:
.L_overlay_start_1:
0x0: {  	(tag) =	ssettag $0x1  }
0x1: {  	s0 =	stileid.u32;
	s7 =	rddreg [dreg:$0x0]  }
0x2: {  	s3 =	srdreg.scid;
	s1 =	rddreg [dreg:$0x1];
	_ =	strace $0x80000056  }
0x3: {  	s31 =	simm.s32 $0x2;
	s16 =	simm.s32 $0x0;
	s14 =	simm.s32 $0x0  }
0x4: {  	s15 =	simm.s32 $0x0;
	s11 =	simm.s32 $0x0;
	s2 =	sshll.u32 s0, $0x1  }
0x5: {  	s13 =	simm.s32 $0x0;
	s3 =	sand.u32 $0x1, s3;
	s4 =	ssub.s32 $0x20, s2  }
0x6: {  	s6 =	ssub.s32 $0x20, s3;
	s10 =	smov.u32 s3;
	s5 =	sand.u32 $0x1E, s4  }
0x7: {  	s4 =	sshrl.u32 s4, $0x5;
	p0 =	sne.s32 s5, $0x0;
	s5 =	simm.s32 $0x1  }
.Ltmp0:
0x8: {  	s8 =	sshrl.u32 s6, $0x1;
	s5 =	simm.s32 @!p0 $0x0;
	(pc) =	sbr.rel .LBB1_1-.Ltmp0, $4  }
0x9: {  	s12 =	smov.u32 s2;
	s6 =	ssub.s32 s6, s8;
	s9 =	sadd.s32 s5, s4  }
0xa: {  	p0 =	por $0x0, $0x0;
	s5 =	simm.s32 $0x1;
	s6 =	smul.u32 s6, s9  }
0xb: {  	s4 =	sadd.s32 $0x407800, s7;
	s7 =	sadd.s32 $0x807800, s7;
	[sflag:s5] =	ssyncpa.u1 $0x0  }
0xc: {  	s9 =	simm.s32 $0x1000;
	[sflag:s31] =	ssyncpa.u1 $0x0;
	s8 =	sadd.s32 $0x1, s6  }
.LBB1_7:
0xd: {  	s17 =	sadd.s32 $0x2, s10  }
0xe: {  	s14 =	sadd.s32 $0x80, s11;
	s18 =	smov.u32 s11;
	p2 =	sgt.s32 s17, $0x1F  }
0xf: {  	s18 =	smov.u32 @p2 s14  }
0x10: {  	s20 =	smov.u32 s12;
	s14 =	sadd.s32 $0x20, s12;
	p3 =	sgt.s32 s18, $0x7F  }
0x11: {  	s20 =	smov.u32 @p3 s14  }
0x12: {  	s17 =	smov.u32 @p2 s3;
	p2 =	sgt.s32 s20, $0x1F  }
0x13: {  	p1 =	slt.u32 s13, $0x2;
	s20 =	smov.u32 @p2 s2;
	p2 =	sne.s32 s13, s8  }
.Ltmp1:
0x14: {  	s19 =	simm.s32 @!p1 $0x2;
	(pc) =	sbr.rel @!p2 .LBB1_8-.Ltmp1, $4  }
0x15: {  	s16 =	smov.u32 s10;
	s15 =	smov.u32 s12;
	_ =	swait.ge @!p1 [sflag:s19], $0x4000  }
0x16: {  	p0 =	por !p0, !p0;
	[sflag:s19] =	ssyncset.done @!p1 $0x0;
	s10 =	smov.u32 s17  }
0x17: {  	s18 =	simm.s32 @p3 $0x0;
	s14 =	smov.u32 s11;
	[sflag:s19] =	ssyncadd.s32 @!p1 $0xFFFFC000  }
0x18: {  	s11 =	smov.u32 s18;
	s13 =	sadd.s32 $0x1, s13;
	s12 =	smov.u32 s20  }
.LBB1_1:
0x19: {  	p1 =	sge.u32 s13, s6;
	s31 =	sadd.s32 $0xFFFFFFFF, s13  }
0x1a: {  	s17 =	sxor.u32 @!p1 $0xFFFFFFFF, s13;
	s18 =	sshll.u32 @!p1 s12, $0x10;
	s19 =	sshll.u32 @!p1 s11, $0x9  }
0x1b: {  	s20 =	sshll.u32 @!p1 s10, $0x4;
	s17 =	sshll.u32 @!p1 s17, $0xE;
	s18 =	sadd.s32 @!p1 s4, s18  }
0x1c: {  	s20 =	sand.u32 @!p1 $0x1F0, s20;
	s17 =	sand.u32 @!p1 $0x4000, s17;
	s18 =	sadd.s32 @!p1 s19, s18  }
0x1d: {  	s19 =	simm.s32 @!p1 $0x40;
	s18 =	sadd.s32 @!p1 s20, s18;
	s20 =	simm.s32 @!p1 $0x1000  }
0x1e: {  	[tilespmem:s17], [sflag:$0x1] =	stream.strided.gather @!p1 [hbm4b:s18+s19], $0x4000, s20, s19, $0x38;
	[tilespmem:$0x10100] =	vst v63  }
0x1f: {  	p1 =	sge.u32 s31, s6  }
.Ltmp2:
0x20: {  	_ = 	snop;
	(pc) =	sbr.rel @p1 .LBB1_7-.Ltmp2, $1  }
0x21: {  	_ =	sdelay $0x3  }
0x22: {  	s17 =	simm.s32 $0x1;
	s19 =	sand.u32 $0x1, s13  }
0x23: {  	_ =	swait.ge [sflag:s5], $0x4000;
	s17 =	simm.s32 @!p0 $0x0;
	s19 =	smul.u32 $0x10200, s19  }
0x24: {  	p2 =	por $0x1, $0x1;
	[sflag:s5] =	ssyncset.done $0x0;
	s18 =	smul.u32 $0x10200, s17  }
0x25: {  	s20 =	sshll.u32 s17, $0x10;
	[sflag:s5] =	ssyncadd.s32 $0xFFFFC000;
	s30 =	sshrl.u32 s19, $0x2  }
0x26: {  	s31 =	sshrl.u32 s20, $0x2;
	s20 =	simm.s32 $0x0;
	s18 =	sshrl.u32 s18, $0x2  }
0x27: {  	s17 =	sor.u32 $0x8000, s30;
	s19 =	sadd.s32 $0x20, s31;
	s18 =	sor.u32 $0x8000, s18  }
.LBB1_3:
0x28: {  	s21 =	sshll.u32 s20, $0xD  }
0x29: {  	s21 =	sand.u32 $0x3FFFE000, s21  }
0x2a: {  	s23 =	sadd.s32 s21, s19  }
0x2b: {  	s31 =	smul.u32 $0x8100, s20;
	v3 =	vld [tilespmem:s23+$0x10]  }
0x2c: {  	v1 =	vld [tilespmem:s23+$0xFFFFFFF0]  }
0x2d: {  	s20 =	sshra.s32 s31, $0x2;
	v0 =	vld [tilespmem:s23+$0x0]  }
0x2e: {  	s20 =	sadd.s32 s20, s18;
	v2 =	vld [tilespmem:s23+$0xFFFFFFE0]  }
0x2f: {  	s21 =	sadd.s32 $0x0, s20  }
0x30: {  	p1 =	por p2, p2;
	s22 =	simm.s32 $0x4;
	s23 =	sadd.s32 $0x40, s23;
	[tilespmem:s21+$0x1830 ss:$0x81] =	vst.msk $0xffff, v3  }
.LBB1_4:
0x31: {  	v3 =	vld [tilespmem:s23+$0x10];
	p2 =	sne.s32 s22, $0x1FC;
	[tilespmem:s21+$0x810 ss:$0x81] =	vst.msk $0xffff, v1;
	s24 =	smov.u32 s22;
	s22 =	sadd.s32 $0x4, s22  }
.Ltmp3:
0x32: {  	v1 =	vld [tilespmem:s23+$0xFFFFFFF0];
	[tilespmem:s21+$0x1020 ss:$0x81] =	vst.msk $0xffff, v0;
	(pc) =	sbr.rel @p2 .LBB1_4-.Ltmp3, $4  }
0x33: {  	v0 =	vld [tilespmem:s23+$0x0];
	[tilespmem:s21+$0x0 ss:$0x81] =	vst.msk $0xffff, v2  }
0x34: {  	s21 =	sshra.s32 s24, $0x2;
	v2 =	vld [tilespmem:s23+$0xFFFFFFE0]  }
0x35: {  	s21 =	sadd.s32 s21, s20  }
0x36: {  	s23 =	sadd.s32 $0x40, s23;
	[tilespmem:s21+$0x1830 ss:$0x81] =	vst.msk $0xffff, v3  }
.Ltmp4:
0x37: {  	(pc) =	sbr.rel @p1 .LBB1_3-.Ltmp4, $4  }
0x38: {  	_ = 	snop  }
0x39: {  	[tilespmem:s21+$0x810 ss:$0x81] =	vst.msk $0xffff, v1  }
0x3a: {  	[tilespmem:s21+$0x1020 ss:$0x81] =	vst.msk $0xffff, v0  }
0x3b: {  	s20 =	simm.s32 $0x1;
	p2 =	por $0x0, $0x0;
	[tilespmem:s21+$0x0 ss:$0x81] =	vst.msk $0xffff, v2  }
0x3c: {  	s16 =	sshll.u32 s16, $0x7;
	s18 =	sshll.u32 s14, $0x3  }
0x3d: {  	s15 =	sshll.u32 s15, $0xF;
	s19 =	sand.u32 $0xC00, s16;
	s18 =	sand.u32 $0xC00, s18  }
0x3e: {  	s30 =	sshrl.u32 s14, $0x3;
	s16 =	sand.u32 $0x380, s16;
	s18 =	sadd.s32 s18, s19  }
.Ltmp5:
0x3f: {  	s31 =	sand.u32 $0x7, s14;
	s16 =	sor.u32 s16, s18;
	(pc) =	sbr.rel .LBB1_7-.Ltmp5, $4  }
0x40: {  	s15 =	sadd.s32 s7, s15;
	s18 =	sand.u32 $0xF, s30;
	s16 =	sshrl.u32 s16, $0x3  }
0x41: {  	s14 =	sshll.u32 s31, $0x12;
	s15 =	sadd.s32 s18, s15;
	s16 =	sand.u32 $0x1F0, s16  }
0x42: {  	s14 =	sor.u32 $0x80, s14;
	s15 =	sadd.s32 s16, s15  }
0x43: {  	[hbm4b:s15+s14] =	stream.strided.scatter [tilespmem:s17], [sflag:$0x2], $0x4000, s9, s14, $0x20;
	[tilespmem:$0x10100] =	vst v63  }
.LBB1_8:
0x44: {  	_ =	sfence.sel $0x180000  }
0x45: {  	s2 =	simm.s32 $0x1;
	[bflag:$0x0] =	sbarrier.arrive $0xFFFF  }
0x46: {  	s31 =	simm.s32 $0x2;
	[sflag:s2] =	ssyncpa.u1 $0x1  }
0x47: {  	[sflag:s31] =	ssyncpa.u1 $0x1  }
0x48: {  	p0 =	sne.s32 s0, $0x0;
	_ =	strace $0x90000056  }
0x49: {  	s0 =	sadd.s32 @!p0 $0x100000, s1;
	[bflag:$0x2] =	sbarrier.arrive $0xFFFF  }
0x4a: {  	[sflag:s0] =	ssyncadd.tile.s32 @!p0 $0x1;
	_ =	shalt  }
.Lfunc_end1:
_tile_overlayer_lowered:
.L_overlay_start_2:
0x4b: {  	(tag) =	ssettag $0x2  }
0x4c: {  	s0 =	rddreg [dreg:$0x0];
	s2 =	stileid.u32  }
0x4d: {  	s1 =	rddreg [dreg:$0x1];
	p0 =	sne.s32 s2, $0x0  }
0x4e: {  	s3 =	rddreg [dreg:$0x2];
	[bflag:$0x3] =	sbarrier.arrive $0xFFFF;
	s2 =	simm.s32 @!p0 $0x1C01  }
0x4f: {  	[timem:s3], [sflag:s2] =	dma.local @!p0 [hbm:s0], s1  }
0x50: {  	s0 =	simm.s32 @!p0 $0x1  }
0x51: {  	_ =	swait.ge @!p0 [sflag:s0], s1  }
0x52: {  	s1 =	ssub.s32 @!p0 $0x0, s1;
	[sflag:s0] =	ssyncset.done @!p0 $0x0  }
0x53: {  	[sflag:s0] =	ssyncadd.s32 @!p0 s1  }
0x54: {  	[bflag:$0x3] =	sbarrier.arrive $0xFFFF  }
0x55: {  	_ =	shalt  }

// kernel: sparse-core-data-format-call.3.cloned.1.call-start
scs
called_computation.3_lowered:
.L_overlay_start_0:
0x0: {  	s1 =	sld [smem:$0x3FD9]  }
0x1: {  	s2 =	sld [smem:$0x3FFE];
	_ =	sdelay $0x1  }
0x2: {  	s3 =	srdreg.scid  }
0x3: {  	s0 =	sand.u32 $0x1, s3  }
0x4: {  	s17 =	sshll.u32 s0, $0xA;
	s1 =	sadd.s32 s2, s1  }
0x5: {  	s1 =	sadd.s32 s1, s17  }
0x6: {  	[smem:$0x3FC5] =	sst s1  }
0x7: {  	_ = 	snop  }
0x8: {  	(tm) =	ssettm $0x1  }
0x9: {  	s18 =	sld [smem:$0x3FFB];
	_ =	sdelay $0x3  }
0xa: {  	_ =	strace s18  }
0xb: {  	s1 =	sld [smem:$0x3FFC];
	_ =	sdelay $0x3  }
0xc: {  	_ =	strace s1  }
0xd: {  	s1 =	sld [smem:$0x3FFD];
	_ =	sdelay $0x3  }
0xe: {  	_ =	strace s1  }
0xf: {  	_ =	strace $0x8FFFFFFF  }
0x10: {  	s19 =	sld [smem:$0x3FDB];
	_ =	sdelay $0x1  }
0x11: {  	s20 =	simm.s32 $_scs_section_size  }
0x12: {  	s4 =	simm.s32 $_size__tile_overlayer_lowered;
	s5 =	simm.s32 $_tile_overlayer_lowered  }
0x13: {  	s23 =	simm.s32 $0x1BFF;
	s22 =	sshll.u32 s5, $0x1;
	s1 =	sadd.s32 s20, s19  }
0x14: {  	s6 =	simm.s32 $0x0;
	s21 =	sshll.u32 s4, $0x1;
	s4 =	sadd.s32 s22, s1  }
0x15: {  	[timem:s6], [sflag:s23] =	dma.local [hbm:s4], s21  }
0x16: {  	_ =	swait.ge [sflag:s23], s21  }
0x17: {  	s2 =	ssub.s32 $0x0, s21;
	[sflag:s23] =	ssyncset.done $0x0  }
0x18: {  	[sflag:s23] =	ssyncadd.s32 s2;
	_ =	sdelay $0x1  }
0x19: {  	s24 =	simm.s32 $0x1B8B  }
0x1a: {  	_ =	swait.ge [sflag:s24], $0x1  }
0x1b: {  	[sflag:s24] =	ssyncset.done $0x0  }
0x1c: {  	s26 =	simm.s32 $0x1B8E;
	s25 =	sld [smem:$0x3FFE];
	[sflag:s24] =	ssyncadd.s32 $0xFFFFFFFF  }
0x1d: {  	s27 =	simm.s32 $execute0_lowered;
	[smem:$0x3FD2] =	sst s26  }
0x1e: {  	s4 =	sshll.u32 s27, $0x1;
	_ =	strace $0x8000004F;
	[dreg:$0x1] =	wrdreg $0xFFFFFFFF  }
0x1f: {  	s28 =	simm.s32 $_size_execute0_lowered;
	s1 =	sadd.s32 s1, s4;
	[dreg:$0x0] =	wrdreg $0x0  }
0x20: {  	s4 =	sshll.u32 s28, $0x1;
	[dreg:$0x2] =	wrdreg s1  }
0x21: {  	[dreg:$0x3] =	wrdreg s4  }
0x22: {  	[dreg:$0x4] =	wrdreg $0xC0  }
0x23: {  	_ =	task [dreg:s6], $0x5FFFF  }
0x24: {  	[dreg:$0x1] =	wrdreg $0xFFFFFFFF  }
0x25: {  	[dreg:$0x0] =	wrdreg $0x60  }
0x26: {  	[dreg:$0x2] =	wrdreg s25  }
0x27: {  	[dreg:$0x3] =	wrdreg $0xB  }
0x28: {  	_ =	task.clear_ibuf [dreg:s6], $0x4FFFF;
	_ =	strace $0x9000004F  }
0x29: {  	s29 =	simm.s32 $0xB;
	_ =	strace $0x80000051  }
0x2a: {  	_ =	swait.ge [sflag:s29], $0x1  }
0x2b: {  	[sflag:s29] =	ssyncadd.s32 $0xFFFFFFFF  }
0x2c: {  	_ =	strace $0x90000051  }
0x2d: {  	_ =	sfence  }
0x2e: {  	s30 =	sld [smem:$0x0];
	_ =	sdelay $0x2  }
0x2f: {  	s31 =	sshll.u32 s3, $0xD;
	s3 =	sshrl.u32 s3, $0x2  }
0x30: {  	s2 =	sand.u32 $0x4000, s31;
	s1 =	sadd.s32 s3, s30  }
0x31: {  	s0 =	sor.u32 s2, s0;
	s1 =	sshll.u32 s1, $0x11  }
0x32: {  	s0 =	sor.u32 s1, s0  }
0x33: {  	s0 =	sadd.s32 $0x8F2B, s0  }
0x34: {  	[sflag:s0] =	ssyncadd.remote.s32 $0x1  }
0x35: {  	_ =	sfence.sel $0xFFFF  }
0x36: {  	[dreg:$0x0] =	wrdreg $0xFFFFFFFF;
	(pc) =	sbr.abs _section_cstart, $3  }
0x37: {  	[dreg:$0x1] =	wrdreg $0xFFFFFFFF  }
0x38: {  	_ =	task.clear_ibuf [dreg:s6], $0x2FFFF;
	_ =	strace $0x9FFFFFFF  }
0x39: {  	(tm) =	ssettm $0x7FFFFFFF  }
tec
execute0_lowered:
.L_overlay_start_1:
0x0: {  	(tag) =	ssettag $0x1  }
0x1: {  	s0 =	stileid.u32;
	s7 =	rddreg [dreg:$0x0]  }
0x2: {  	s3 =	srdreg.scid;
	s1 =	rddreg [dreg:$0x1];
	_ =	strace $0x80000050  }
0x3: {  	s31 =	simm.s32 $0x2;
	s16 =	simm.s32 $0x0;
	s14 =	simm.s32 $0x0  }
0x4: {  	s15 =	simm.s32 $0x0;
	s11 =	simm.s32 $0x0;
	s2 =	sshll.u32 s0, $0x1  }
0x5: {  	s13 =	simm.s32 $0x0;
	s3 =	sand.u32 $0x1, s3;
	s4 =	ssub.s32 $0x20, s2  }
0x6: {  	s6 =	ssub.s32 $0x20, s3;
	s10 =	smov.u32 s3;
	s5 =	sand.u32 $0x1E, s4  }
0x7: {  	s4 =	sshrl.u32 s4, $0x5;
	p0 =	sne.s32 s5, $0x0;
	s5 =	simm.s32 $0x1  }
.Ltmp0:
0x8: {  	s8 =	sshrl.u32 s6, $0x1;
	s5 =	simm.s32 @!p0 $0x0;
	(pc) =	sbr.rel .LBB1_1-.Ltmp0, $4  }
0x9: {  	s12 =	smov.u32 s2;
	s6 =	ssub.s32 s6, s8;
	s9 =	sadd.s32 s5, s4  }
0xa: {  	p0 =	por $0x0, $0x0;
	s5 =	simm.s32 $0x1;
	s6 =	smul.u32 s6, s9  }
0xb: {  	s4 =	sadd.s32 $0x5800, s7;
	s7 =	sadd.s32 $0x607800, s7;
	[sflag:s5] =	ssyncpa.u1 $0x0  }
0xc: {  	s9 =	simm.s32 $0x1000;
	[sflag:s31] =	ssyncpa.u1 $0x0;
	s8 =	sadd.s32 $0x1, s6  }
.LBB1_7:
0xd: {  	s17 =	sadd.s32 $0x2, s10  }
0xe: {  	s14 =	sadd.s32 $0x80, s11;
	s18 =	smov.u32 s11;
	p2 =	sgt.s32 s17, $0x1F  }
0xf: {  	s18 =	smov.u32 @p2 s14  }
0x10: {  	s20 =	smov.u32 s12;
	s14 =	sadd.s32 $0x20, s12;
	p3 =	sgt.s32 s18, $0x7F  }
0x11: {  	s20 =	smov.u32 @p3 s14  }
0x12: {  	s17 =	smov.u32 @p2 s3;
	p2 =	sgt.s32 s20, $0x1F  }
0x13: {  	p1 =	slt.u32 s13, $0x2;
	s20 =	smov.u32 @p2 s2;
	p2 =	sne.s32 s13, s8  }
.Ltmp1:
0x14: {  	s19 =	simm.s32 @!p1 $0x2;
	(pc) =	sbr.rel @!p2 .LBB1_8-.Ltmp1, $4  }
0x15: {  	s16 =	smov.u32 s10;
	s15 =	smov.u32 s12;
	_ =	swait.ge @!p1 [sflag:s19], $0x4000  }
0x16: {  	p0 =	por !p0, !p0;
	[sflag:s19] =	ssyncset.done @!p1 $0x0;
	s10 =	smov.u32 s17  }
0x17: {  	s18 =	simm.s32 @p3 $0x0;
	s14 =	smov.u32 s11;
	[sflag:s19] =	ssyncadd.s32 @!p1 $0xFFFFC000  }
0x18: {  	s11 =	smov.u32 s18;
	s13 =	sadd.s32 $0x1, s13;
	s12 =	smov.u32 s20  }
.LBB1_1:
0x19: {  	p1 =	sge.u32 s13, s6;
	s31 =	sadd.s32 $0xFFFFFFFF, s13  }
0x1a: {  	s17 =	sxor.u32 @!p1 $0xFFFFFFFF, s13;
	s18 =	sshll.u32 @!p1 s12, $0x10;
	s19 =	sshll.u32 @!p1 s11, $0x9  }
0x1b: {  	s20 =	sshll.u32 @!p1 s10, $0x4;
	s17 =	sshll.u32 @!p1 s17, $0xE;
	s18 =	sadd.s32 @!p1 s4, s18  }
0x1c: {  	s20 =	sand.u32 @!p1 $0x1F0, s20;
	s17 =	sand.u32 @!p1 $0x4000, s17;
	s18 =	sadd.s32 @!p1 s19, s18  }
0x1d: {  	s19 =	simm.s32 @!p1 $0x40;
	s18 =	sadd.s32 @!p1 s20, s18;
	s20 =	simm.s32 @!p1 $0x1000  }
0x1e: {  	[tilespmem:s17], [sflag:$0x1] =	stream.strided.gather @!p1 [hbm4b:s18+s19], $0x4000, s20, s19, $0x38;
	[tilespmem:$0x10100] =	vst v63  }
0x1f: {  	p1 =	sge.u32 s31, s6  }
.Ltmp2:
0x20: {  	_ = 	snop;
	(pc) =	sbr.rel @p1 .LBB1_7-.Ltmp2, $1  }
0x21: {  	_ =	sdelay $0x3  }
0x22: {  	s17 =	simm.s32 $0x1;
	s19 =	sand.u32 $0x1, s13  }
0x23: {  	_ =	swait.ge [sflag:s5], $0x4000;
	s17 =	simm.s32 @!p0 $0x0;
	s19 =	smul.u32 $0x10200, s19  }
0x24: {  	p2 =	por $0x1, $0x1;
	[sflag:s5] =	ssyncset.done $0x0;
	s18 =	smul.u32 $0x10200, s17  }
0x25: {  	s20 =	sshll.u32 s17, $0x10;
	[sflag:s5] =	ssyncadd.s32 $0xFFFFC000;
	s30 =	sshrl.u32 s19, $0x2  }
0x26: {  	s31 =	sshrl.u32 s20, $0x2;
	s20 =	simm.s32 $0x0;
	s18 =	sshrl.u32 s18, $0x2  }
0x27: {  	s17 =	sor.u32 $0x8000, s30;
	s19 =	sadd.s32 $0x20, s31;
	s18 =	sor.u32 $0x8000, s18  }
.LBB1_3:
0x28: {  	s21 =	sshll.u32 s20, $0xD  }
0x29: {  	s21 =	sand.u32 $0x3FFFE000, s21  }
0x2a: {  	s23 =	sadd.s32 s21, s19  }
0x2b: {  	s31 =	smul.u32 $0x8100, s20;
	v3 =	vld [tilespmem:s23+$0x10]  }
0x2c: {  	v1 =	vld [tilespmem:s23+$0xFFFFFFF0]  }
0x2d: {  	s20 =	sshra.s32 s31, $0x2;
	v0 =	vld [tilespmem:s23+$0x0]  }
0x2e: {  	s20 =	sadd.s32 s20, s18;
	v2 =	vld [tilespmem:s23+$0xFFFFFFE0]  }
0x2f: {  	s21 =	sadd.s32 $0x0, s20  }
0x30: {  	p1 =	por p2, p2;
	s22 =	simm.s32 $0x4;
	s23 =	sadd.s32 $0x40, s23;
	[tilespmem:s21+$0x1830 ss:$0x81] =	vst.msk $0xffff, v3  }
.LBB1_4:
0x31: {  	v3 =	vld [tilespmem:s23+$0x10];
	p2 =	sne.s32 s22, $0x1FC;
	[tilespmem:s21+$0x810 ss:$0x81] =	vst.msk $0xffff, v1;
	s24 =	smov.u32 s22;
	s22 =	sadd.s32 $0x4, s22  }
.Ltmp3:
0x32: {  	v1 =	vld [tilespmem:s23+$0xFFFFFFF0];
	[tilespmem:s21+$0x1020 ss:$0x81] =	vst.msk $0xffff, v0;
	(pc) =	sbr.rel @p2 .LBB1_4-.Ltmp3, $4  }
0x33: {  	v0 =	vld [tilespmem:s23+$0x0];
	[tilespmem:s21+$0x0 ss:$0x81] =	vst.msk $0xffff, v2  }
0x34: {  	s21 =	sshra.s32 s24, $0x2;
	v2 =	vld [tilespmem:s23+$0xFFFFFFE0]  }
0x35: {  	s21 =	sadd.s32 s21, s20  }
0x36: {  	s23 =	sadd.s32 $0x40, s23;
	[tilespmem:s21+$0x1830 ss:$0x81] =	vst.msk $0xffff, v3  }
.Ltmp4:
0x37: {  	(pc) =	sbr.rel @p1 .LBB1_3-.Ltmp4, $4  }
0x38: {  	_ = 	snop  }
0x39: {  	[tilespmem:s21+$0x810 ss:$0x81] =	vst.msk $0xffff, v1  }
0x3a: {  	[tilespmem:s21+$0x1020 ss:$0x81] =	vst.msk $0xffff, v0  }
0x3b: {  	s20 =	simm.s32 $0x1;
	p2 =	por $0x0, $0x0;
	[tilespmem:s21+$0x0 ss:$0x81] =	vst.msk $0xffff, v2  }
0x3c: {  	s16 =	sshll.u32 s16, $0x7;
	s18 =	sshll.u32 s14, $0x3  }
0x3d: {  	s15 =	sshll.u32 s15, $0xF;
	s19 =	sand.u32 $0xC00, s16;
	s18 =	sand.u32 $0xC00, s18  }
0x3e: {  	s30 =	sshrl.u32 s14, $0x3;
	s16 =	sand.u32 $0x380, s16;
	s18 =	sadd.s32 s18, s19  }
.Ltmp5:
0x3f: {  	s31 =	sand.u32 $0x7, s14;
	s16 =	sor.u32 s16, s18;
	(pc) =	sbr.rel .LBB1_7-.Ltmp5, $4  }
0x40: {  	s15 =	sadd.s32 s7, s15;
	s18 =	sand.u32 $0xF, s30;
	s16 =	sshrl.u32 s16, $0x3  }
0x41: {  	s14 =	sshll.u32 s31, $0x12;
	s15 =	sadd.s32 s18, s15;
	s16 =	sand.u32 $0x1F0, s16  }
0x42: {  	s14 =	sor.u32 $0x80, s14;
	s15 =	sadd.s32 s16, s15  }
0x43: {  	[hbm4b:s15+s14] =	stream.strided.scatter [tilespmem:s17], [sflag:$0x2], $0x4000, s9, s14, $0x20;
	[tilespmem:$0x10100] =	vst v63  }
.LBB1_8:
0x44: {  	_ =	sfence.sel $0x180000  }
0x45: {  	s2 =	simm.s32 $0x1;
	[bflag:$0x0] =	sbarrier.arrive $0xFFFF  }
0x46: {  	s31 =	simm.s32 $0x2;
	[sflag:s2] =	ssyncpa.u1 $0x1  }
0x47: {  	[sflag:s31] =	ssyncpa.u1 $0x1  }
0x48: {  	p0 =	sne.s32 s0, $0x0;
	_ =	strace $0x90000050  }
0x49: {  	s0 =	sadd.s32 @!p0 $0x100000, s1;
	[bflag:$0x2] =	sbarrier.arrive $0xFFFF  }
0x4a: {  	[sflag:s0] =	ssyncadd.tile.s32 @!p0 $0x1;
	_ =	shalt  }
.Lfunc_end1:
_tile_overlayer_lowered:
.L_overlay_start_2:
0x4b: {  	(tag) =	ssettag $0x2  }
0x4c: {  	s0 =	rddreg [dreg:$0x0];
	s2 =	stileid.u32  }
0x4d: {  	s1 =	rddreg [dreg:$0x1];
	p0 =	sne.s32 s2, $0x0  }
0x4e: {  	s3 =	rddreg [dreg:$0x2];
	[bflag:$0x3] =	sbarrier.arrive $0xFFFF;
	s2 =	simm.s32 @!p0 $0x1C01  }
0x4f: {  	[timem:s3], [sflag:s2] =	dma.local @!p0 [hbm:s0], s1  }
0x50: {  	s0 =	simm.s32 @!p0 $0x1  }
0x51: {  	_ =	swait.ge @!p0 [sflag:s0], s1  }
0x52: {  	s1 =	ssub.s32 @!p0 $0x0, s1;
	[sflag:s0] =	ssyncset.done @!p0 $0x0  }
0x53: {  	[sflag:s0] =	ssyncadd.s32 @!p0 s1  }
0x54: {  	[bflag:$0x3] =	sbarrier.arrive $0xFFFF  }
0x55: {  	_ =	shalt  }

// kernel: sparse-core-data-format-call.4.cloned.1.call-start
scs
called_computation.4_lowered:
.L_overlay_start_0:
0x0: {  	s1 =	sld [smem:$0x3FD9]  }
0x1: {  	s2 =	sld [smem:$0x3FFE];
	_ =	sdelay $0x1  }
0x2: {  	s3 =	srdreg.scid  }
0x3: {  	s0 =	sand.u32 $0x1, s3  }
0x4: {  	s17 =	sshll.u32 s0, $0xA;
	s1 =	sadd.s32 s2, s1  }
0x5: {  	s1 =	sadd.s32 s1, s17  }
0x6: {  	[smem:$0x3FC5] =	sst s1  }
0x7: {  	_ = 	snop  }
0x8: {  	(tm) =	ssettm $0x1  }
0x9: {  	s18 =	sld [smem:$0x3FFB];
	_ =	sdelay $0x3  }
0xa: {  	_ =	strace s18  }
0xb: {  	s1 =	sld [smem:$0x3FFC];
	_ =	sdelay $0x3  }
0xc: {  	_ =	strace s1  }
0xd: {  	s1 =	sld [smem:$0x3FFD];
	_ =	sdelay $0x3  }
0xe: {  	_ =	strace s1  }
0xf: {  	_ =	strace $0x8FFFFFFF  }
0x10: {  	s19 =	sld [smem:$0x3FDB];
	_ =	sdelay $0x1  }
0x11: {  	s20 =	simm.s32 $_scs_section_size  }
0x12: {  	s4 =	simm.s32 $_size__tile_overlayer_lowered;
	s5 =	simm.s32 $_tile_overlayer_lowered  }
0x13: {  	s23 =	simm.s32 $0x1BFF;
	s22 =	sshll.u32 s5, $0x1;
	s1 =	sadd.s32 s20, s19  }
0x14: {  	s6 =	simm.s32 $0x0;
	s21 =	sshll.u32 s4, $0x1;
	s4 =	sadd.s32 s22, s1  }
0x15: {  	[timem:s6], [sflag:s23] =	dma.local [hbm:s4], s21  }
0x16: {  	_ =	swait.ge [sflag:s23], s21  }
0x17: {  	s2 =	ssub.s32 $0x0, s21;
	[sflag:s23] =	ssyncset.done $0x0  }
0x18: {  	[sflag:s23] =	ssyncadd.s32 s2;
	_ =	sdelay $0x1  }
0x19: {  	s24 =	simm.s32 $0x1B8B  }
0x1a: {  	_ =	swait.ge [sflag:s24], $0x1  }
0x1b: {  	[sflag:s24] =	ssyncset.done $0x0  }
0x1c: {  	s26 =	simm.s32 $0x1B8E;
	s25 =	sld [smem:$0x3FFE];
	[sflag:s24] =	ssyncadd.s32 $0xFFFFFFFF  }
0x1d: {  	s27 =	simm.s32 $execute0_lowered;
	[smem:$0x3FD2] =	sst s26  }
0x1e: {  	s4 =	sshll.u32 s27, $0x1;
	_ =	strace $0x80000049;
	[dreg:$0x1] =	wrdreg $0xFFFFFFFF  }
0x1f: {  	s28 =	simm.s32 $_size_execute0_lowered;
	s1 =	sadd.s32 s1, s4;
	[dreg:$0x0] =	wrdreg $0x0  }
0x20: {  	s4 =	sshll.u32 s28, $0x1;
	[dreg:$0x2] =	wrdreg s1  }
0x21: {  	[dreg:$0x3] =	wrdreg s4  }
0x22: {  	[dreg:$0x4] =	wrdreg $0xC0  }
0x23: {  	_ =	task [dreg:s6], $0x5FFFF  }
0x24: {  	[dreg:$0x1] =	wrdreg $0xFFFFFFFF  }
0x25: {  	[dreg:$0x0] =	wrdreg $0x60  }
0x26: {  	[dreg:$0x2] =	wrdreg s25  }
0x27: {  	[dreg:$0x3] =	wrdreg $0x9  }
0x28: {  	_ =	task.clear_ibuf [dreg:s6], $0x4FFFF;
	_ =	strace $0x90000049  }
0x29: {  	s29 =	simm.s32 $0x9;
	_ =	strace $0x8000004B  }
0x2a: {  	_ =	swait.ge [sflag:s29], $0x1  }
0x2b: {  	[sflag:s29] =	ssyncadd.s32 $0xFFFFFFFF  }
0x2c: {  	_ =	strace $0x9000004B  }
0x2d: {  	_ =	sfence  }
0x2e: {  	s30 =	sld [smem:$0x0];
	_ =	sdelay $0x2  }
0x2f: {  	s31 =	sshll.u32 s3, $0xD;
	s3 =	sshrl.u32 s3, $0x2  }
0x30: {  	s2 =	sand.u32 $0x4000, s31;
	s1 =	sadd.s32 s3, s30  }
0x31: {  	s0 =	sor.u32 s2, s0;
	s1 =	sshll.u32 s1, $0x11  }
0x32: {  	s0 =	sor.u32 s1, s0  }
0x33: {  	s0 =	sadd.s32 $0x8F2B, s0  }
0x34: {  	[sflag:s0] =	ssyncadd.remote.s32 $0x1  }
0x35: {  	_ =	sfence.sel $0xFFFF  }
0x36: {  	[dreg:$0x0] =	wrdreg $0xFFFFFFFF;
	(pc) =	sbr.abs _section_cstart, $3  }
0x37: {  	[dreg:$0x1] =	wrdreg $0xFFFFFFFF  }
0x38: {  	_ =	task.clear_ibuf [dreg:s6], $0x2FFFF;
	_ =	strace $0x9FFFFFFF  }
0x39: {  	(tm) =	ssettm $0x7FFFFFFF  }
tec
execute0_lowered:
.L_overlay_start_1:
0x0: {  	(tag) =	ssettag $0x1  }
0x1: {  	s1 =	rddreg [dreg:$0x0]  }
0x2: {  	s0 =	rddreg [dreg:$0x1]  }
0x3: {  	_ =	strace $0x8000004A;
	s4 =	srdreg.scid;
	s6 =	simm.s32 $0x2  }
0x4: {  	s12 =	simm.s32 $0x0;
	s11 =	simm.s32 $0x0;
	s13 =	simm.s32 $0x0  }
.Ltmp0:
0x5: {  	s8 =	simm.s32 $0x0;
	s9 =	simm.s32 $0x0;
	(pc) =	sbr.rel .LBB1_1-.Ltmp0, $4  }
0x6: {  	s2 =	sadd.s32 $0x205800, s1;
	s3 =	sadd.s32 $0x305800, s1;
	s5 =	sshll.u32 s4, $0x4  }
0x7: {  	s1 =	stileid.u32;
	s4 =	simm.s32 $0x1;
	s5 =	sand.u32 $0x10, s5  }
0x8: {  	s7 =	simm.s32 $0x0;
	[sflag:s4] =	ssyncpa.u1 $0x0;
	s5 =	sor.u32 s1, s5  }
0x9: {  	[sflag:s6] =	ssyncpa.u1 $0x0;
	s6 =	simm.s32 $0x80;
	s10 =	smov.u32 s5  }
.LBB1_7:
0xa: {  	s14 =	sadd.s32 $0x2, s8  }
0xb: {  	s11 =	sadd.s32 $0x40, s9;
	s15 =	smov.u32 s9;
	p1 =	sgt.s32 s14, $0x1F  }
0xc: {  	s15 =	smov.u32 @p1 s11  }
0xd: {  	s17 =	smov.u32 s10;
	s11 =	sadd.s32 $0x20, s10;
	p2 =	sgt.s32 s15, $0x3F  }
0xe: {  	p0 =	slt.u32 s7, $0x2;
	s17 =	smov.u32 @p2 s11  }
0xf: {  	s7 =	sadd.s32 $0x1, s7;
	s14 =	simm.s32 @p1 $0x0;
	p1 =	sgt.s32 s17, $0x1F  }
0x10: {  	s17 =	smov.u32 @p1 s5;
	p1 =	sne.s32 s7, $0x12  }
.Ltmp1:
0x11: {  	s16 =	simm.s32 @!p0 $0x2;
	(pc) =	sbr.rel @!p1 .LBB1_8-.Ltmp1, $4  }
0x12: {  	_ =	swait.ge @!p0 [sflag:s16], $0x4000  }
0x13: {  	s12 =	smov.u32 s8;
	s13 =	smov.u32 s10;
	[sflag:s16] =	ssyncset.done @!p0 $0x0  }
0x14: {  	s8 =	smov.u32 s14;
	s15 =	simm.s32 @p2 $0x0;
	s11 =	smov.u32 s9  }
0x15: {  	[sflag:s16] =	ssyncadd.s32 @!p0 $0xFFFFC000;
	s9 =	smov.u32 s15;
	s10 =	smov.u32 s17  }
.LBB1_1:
0x16: {  	p0 =	sgt.u32 s7, $0xF  }
0x17: {  	s14 =	sxor.u32 @!p0 $0xFFFFFFFF, s7;
	s15 =	sshll.u32 @!p0 s10, $0xF;
	s16 =	sshll.u32 @!p0 s9, $0x9  }
0x18: {  	s17 =	sshll.u32 @!p0 s8, $0x4;
	s14 =	sshll.u32 @!p0 s14, $0xE;
	s15 =	sadd.s32 @!p0 s2, s15  }
0x19: {  	s17 =	sand.u32 @!p0 $0x1F0, s17;
	s14 =	sand.u32 @!p0 $0x4000, s14;
	s15 =	sadd.s32 @!p0 s16, s15  }
0x1a: {  	s16 =	simm.s32 @!p0 $0x100;
	s15 =	sadd.s32 @!p0 s17, s15;
	s17 =	simm.s32 @!p0 $0x1000  }
0x1b: {  	[tilespmem:s14], [sflag:$0x1] =	stream.strided.gather @!p0 [hbm4b:s15+s16], $0x4000, s17, s16, $0x38;
	[tilespmem:$0x10200] =	vst v63  }
0x1c: {  	p0 =	seq.s32 s7, $0x0  }
0x1d: {  	p1 =	seq.s32 @!p0 s7, $0x11  }
0x1e: {  	p0 =	por p0, p1  }
.Ltmp2:
0x1f: {  	_ = 	snop;
	(pc) =	sbr.rel @p0 .LBB1_7-.Ltmp2, $1  }
0x20: {  	_ =	sdelay $0x3  }
0x21: {  	s14 =	sand.u32 $0x1, s7  }
0x22: {  	_ =	swait.ge [sflag:s4], $0x4000;
	s15 =	smul.u32 $0x10400, s14  }
0x23: {  	[sflag:s4] =	ssyncset.done $0x0  }
0x24: {  	[sflag:s4] =	ssyncadd.s32 $0xFFFFC000;
	s16 =	sshrl.u32 s15, $0x2  }
0x25: {  	s15 =	sshll.u32 s14, $0xE;
	s14 =	sor.u32 $0x8000, s16;
	s16 =	simm.s32 $0x0  }
.LBB1_3:
0x26: {  	s17 =	sshll.u32 s16, $0x8  }
0x27: {  	s17 =	sand.u32 $0x3FFFFF00, s17  }
0x28: {  	s17 =	sadd.s32 s17, s15  }
0x29: {  	v0 =	vmov s17;
	_ =	sdelay $0x1  }
0x2a: {  	p0 =	por $0x1, $0x1;
	s17 =	simm.s32 $0x0  }
.LBB1_4:
0x2b: {  	s18 =	sshll.u32 s17, $0x7  }
0x2c: {  	s18 =	sand.u32 $0x3FFFFF80, s18  }
0x2d: {  	s31 =	smul.u32 $0x8200, s17;
	v1 =	vld.idx.msk [tilespmem:v0+s18+$0x0 ss:$0x1], $0xffff  }
0x2e: {  	v2 =	vld.idx.msk [tilespmem:v0+s18+$0x10 ss:$0x1], $0xffff  }
0x2f: {  	s17 =	sshra.s32 s31, $0x2;
	v3 =	vld.idx.msk [tilespmem:v0+s18+$0x20 ss:$0x1], $0xffff  }
0x30: {  	v4 =	vld.idx.msk [tilespmem:v0+s18+$0x30 ss:$0x1], $0xffff;
	s17 =	sadd.s32 s17, s14  }
0x31: {  	v5 =	vld.idx.msk [tilespmem:v0+s18+$0x40 ss:$0x1], $0xffff;
	s17 =	sadd.s32 s16, s17  }
0x32: {  	[tilespmem:s17+$0x0 ss:$0x41] =	vst.msk $0xffff, v1;
	v1 =	vld.idx.msk [tilespmem:v0+s18+$0x50 ss:$0x1], $0xffff  }
0x33: {  	[tilespmem:s17+$0x410 ss:$0x41] =	vst.msk $0xffff, v2;
	v2 =	vld.idx.msk [tilespmem:v0+s18+$0x60 ss:$0x1], $0xffff  }
0x34: {  	p1 =	por p0, p0;
	[tilespmem:s17+$0x820 ss:$0x41] =	vst.msk $0xffff, v3;
	v3 =	vld.idx.msk [tilespmem:v0+s18+$0x70 ss:$0x1], $0xffff  }
.Ltmp3:
0x35: {  	[tilespmem:s17+$0xC30 ss:$0x41] =	vst.msk $0xffff, v4;
	(pc) =	sbr.rel @p1 .LBB1_4-.Ltmp3, $4  }
0x36: {  	[tilespmem:s17+$0x1040 ss:$0x41] =	vst.msk $0xffff, v5  }
0x37: {  	[tilespmem:s17+$0x1450 ss:$0x41] =	vst.msk $0xffff, v1  }
0x38: {  	[tilespmem:s17+$0x1860 ss:$0x41] =	vst.msk $0xffff, v2  }
0x39: {  	p0 =	por $0x0, $0x0;
	[tilespmem:s17+$0x1C70 ss:$0x41] =	vst.msk $0xffff, v3;
	s17 =	simm.s32 $0x1  }
0x3a: {  	s16 =	sadd.s32 $0x1, s16  }
0x3b: {  	p0 =	sne.s32 s16, $0x40  }
.Ltmp4:
0x3c: {  	_ = 	snop;
	(pc) =	sbr.rel @p0 .LBB1_3-.Ltmp4, $1  }
0x3d: {  	_ =	sdelay $0x3  }
0x3e: {  	s13 =	sshll.u32 s13, $0x10;
	s15 =	sand.u32 $0x780, s11  }
.Ltmp5:
0x3f: {  	s12 =	sshll.u32 s12, $0xB;
	s13 =	sadd.s32 s3, s13;
	(pc) =	sbr.rel .LBB1_7-.Ltmp5, $4  }
0x40: {  	s16 =	sshrl.u32 s11, $0x3;
	s30 =	sand.u32 $0x7, s11;
	s13 =	sadd.s32 s15, s13  }
0x41: {  	s31 =	sand.u32 $0xF, s16;
	s11 =	sshll.u32 s30, $0x12;
	s12 =	sadd.s32 s12, s13  }
0x42: {  	s11 =	sor.u32 $0x40, s11;
	s12 =	sadd.s32 s31, s12  }
0x43: {  	[hbm4b:s12+s11] =	stream.strided.scatter [tilespmem:s14], [sflag:$0x2], $0x4000, s6, s11, $0x18;
	[tilespmem:$0x10200] =	vst v63  }
.LBB1_8:
0x44: {  	_ =	sfence.sel $0x180000  }
0x45: {  	s2 =	simm.s32 $0x1;
	[bflag:$0x0] =	sbarrier.arrive $0xFFFF  }
0x46: {  	s31 =	simm.s32 $0x2;
	[sflag:s2] =	ssyncpa.u1 $0x1  }
0x47: {  	[sflag:s31] =	ssyncpa.u1 $0x1  }
0x48: {  	p0 =	sne.s32 s1, $0x0;
	_ =	strace $0x9000004A  }
0x49: {  	s0 =	sadd.s32 @!p0 $0x100000, s0;
	[bflag:$0x2] =	sbarrier.arrive $0xFFFF  }
0x4a: {  	[sflag:s0] =	ssyncadd.tile.s32 @!p0 $0x1;
	_ =	shalt  }
.Lfunc_end1:
_tile_overlayer_lowered:
.L_overlay_start_2:
0x4b: {  	(tag) =	ssettag $0x2  }
0x4c: {  	s0 =	rddreg [dreg:$0x0];
	s2 =	stileid.u32  }
0x4d: {  	s1 =	rddreg [dreg:$0x1];
	p0 =	sne.s32 s2, $0x0  }
0x4e: {  	s3 =	rddreg [dreg:$0x2];
	[bflag:$0x3] =	sbarrier.arrive $0xFFFF;
	s2 =	simm.s32 @!p0 $0x1C01  }
0x4f: {  	[timem:s3], [sflag:s2] =	dma.local @!p0 [hbm:s0], s1  }
0x50: {  	s0 =	simm.s32 @!p0 $0x1  }
0x51: {  	_ =	swait.ge @!p0 [sflag:s0], s1  }
0x52: {  	s1 =	ssub.s32 @!p0 $0x0, s1;
	[sflag:s0] =	ssyncset.done @!p0 $0x0  }
0x53: {  	[sflag:s0] =	ssyncadd.s32 @!p0 s1  }
0x54: {  	[bflag:$0x3] =	sbarrier.arrive $0xFFFF  }
0x55: {  	_ =	shalt  }

// kernel: sparse-core-data-format-call.5.cloned.1.call-start
scs
called_computation.5_lowered:
.L_overlay_start_0:
0x0: {  	s2 =	sld [smem:$0x3FD9]  }
0x1: {  	s3 =	sld [smem:$0x3FFE];
	_ =	sdelay $0x1  }
0x2: {  	s1 =	srdreg.scid  }
0x3: {  	s0 =	sand.u32 $0x1, s1  }
0x4: {  	s18 =	sshll.u32 s0, $0xA;
	s2 =	sadd.s32 s3, s2  }
0x5: {  	s2 =	sadd.s32 s2, s18  }
0x6: {  	[smem:$0x3FC5] =	sst s2  }
0x7: {  	_ = 	snop  }
0x8: {  	(tm) =	ssettm $0x1  }
0x9: {  	s19 =	sld [smem:$0x3FFB];
	_ =	sdelay $0x3  }
0xa: {  	_ =	strace s19  }
0xb: {  	s2 =	sld [smem:$0x3FFC];
	_ =	sdelay $0x3  }
0xc: {  	_ =	strace s2  }
0xd: {  	s2 =	sld [smem:$0x3FFD];
	_ =	sdelay $0x3  }
0xe: {  	_ =	strace s2  }
0xf: {  	_ =	strace $0x8FFFFFFF  }
0x10: {  	s20 =	sld [smem:$0x3FDB];
	_ =	sdelay $0x1  }
0x11: {  	s21 =	simm.s32 $_scs_section_size  }
0x12: {  	s4 =	simm.s32 $_size__tile_overlayer_lowered;
	s5 =	simm.s32 $_tile_overlayer_lowered  }
0x13: {  	s6 =	simm.s32 $0x1BFF;
	s22 =	sshll.u32 s5, $0x1;
	s3 =	sadd.s32 s21, s20  }
0x14: {  	s23 =	simm.s32 $0x0;
	s4 =	sshll.u32 s4, $0x1;
	s5 =	sadd.s32 s22, s3  }
0x15: {  	[timem:s23], [sflag:s6] =	dma.local [hbm:s5], s4  }
0x16: {  	_ =	swait.ge [sflag:s6], s4  }
0x17: {  	s4 =	ssub.s32 $0x0, s4;
	[sflag:s6] =	ssyncset.done $0x0  }
0x18: {  	[sflag:s6] =	ssyncadd.s32 s4;
	_ =	sdelay $0x1  }
0x19: {  	s24 =	simm.s32 $0x1B8B  }
0x1a: {  	_ =	swait.ge [sflag:s24], $0x1  }
0x1b: {  	[sflag:s24] =	ssyncset.done $0x0  }
0x1c: {  	[sflag:s24] =	ssyncadd.s32 $0xFFFFFFFF  }
0x1d: {  	s4 =	sld [smem:$0x0]  }
0x1e: {  	s5 =	sand.u32 $0xFFFFFFFE, s1  }
0x1f: {  	p0 =	sne.s32 s1, s5  }
0x20: {  	s5 =	sshll.u32 @p0 s5, $0xE  }
0x21: {  	s5 =	sadd.s32 @p0 $0x11B8D, s5;
	s6 =	sshll.u32 @p0 s4, $0x11  }
0x22: {  	s5 =	sor.u32 @p0 s6, s5  }
0x23: {  	[sflag:s5] =	ssyncadd.remote.s32 @p0 $0x1;
	_ =	sdelay $0x1  }
0x24: {  	s5 =	simm.s32 @p0 $0x1B8D  }
0x25: {  	_ =	swait.eq @p0 [sflag:s5], $0x1  }
0x26: {  	[sflag:s5] =	ssyncadd.s32 @p0 $0xFFFFFFFF  }
0x27: {  	s6 =	sshll.u32 @!p0 s1, $0xE  }
0x28: {  	s6 =	sor.u32 @!p0 $0x4000, s6;
	s5 =	simm.s32 @!p0 $0x1B8D  }
0x29: {  	s4 =	sshll.u32 @!p0 s4, $0x11;
	s6 =	sadd.s32 @!p0 $0x11B8D, s6;
	_ =	swait.eq @!p0 [sflag:s5], $0x1  }
0x2a: {  	s4 =	sor.u32 @!p0 s4, s6;
	[sflag:s5] =	ssyncadd.s32 @!p0 $0xFFFFFFFF  }
0x2b: {  	s26 =	simm.s32 $0x1B8E;
	s25 =	sld [smem:$0x3FFE];
	[sflag:s4] =	ssyncadd.remote.s32 @!p0 $0x1  }
0x2c: {  	s27 =	simm.s32 $execute0_lowered;
	[smem:$0x3FD2] =	sst s26  }
0x2d: {  	s5 =	sshll.u32 s27, $0x1;
	_ =	strace $0x8000004C;
	[dreg:$0x1] =	wrdreg $0xFFFFFFFF  }
0x2e: {  	s28 =	simm.s32 $_size_execute0_lowered;
	s3 =	sadd.s32 s3, s5;
	[dreg:$0x0] =	wrdreg $0x0  }
0x2f: {  	s5 =	sshll.u32 s28, $0x1;
	[dreg:$0x2] =	wrdreg s3  }
0x30: {  	[dreg:$0x3] =	wrdreg s5  }
0x31: {  	[dreg:$0x4] =	wrdreg $0xC0  }
0x32: {  	_ =	task [dreg:s23], $0x5FFFF  }
0x33: {  	[dreg:$0x1] =	wrdreg $0xFFFFFFFF  }
0x34: {  	[dreg:$0x0] =	wrdreg $0x60  }
0x35: {  	[dreg:$0x2] =	wrdreg s25  }
0x36: {  	[dreg:$0x3] =	wrdreg $0xA  }
0x37: {  	_ =	task.clear_ibuf [dreg:s23], $0x4FFFF;
	_ =	strace $0x9000004C  }
0x38: {  	s29 =	simm.s32 $0xA;
	_ =	strace $0x8000004E  }
0x39: {  	_ =	swait.ge [sflag:s29], $0x1  }
0x3a: {  	[sflag:s29] =	ssyncadd.s32 $0xFFFFFFFF  }
0x3b: {  	_ =	strace $0x9000004E  }
0x3c: {  	_ =	sfence  }
0x3d: {  	s30 =	sld [smem:$0x0];
	_ =	sdelay $0x2  }
0x3e: {  	s31 =	sshll.u32 s1, $0xD;
	s1 =	sshrl.u32 s1, $0x2  }
0x3f: {  	s4 =	sand.u32 $0x4000, s31;
	s1 =	sadd.s32 s1, s30  }
0x40: {  	s0 =	sor.u32 s4, s0;
	s1 =	sshll.u32 s1, $0x11  }
0x41: {  	s0 =	sor.u32 s1, s0  }
0x42: {  	s0 =	sadd.s32 $0x8F2B, s0  }
0x43: {  	[sflag:s0] =	ssyncadd.remote.s32 $0x1  }
0x44: {  	_ =	sfence.sel $0xFFFF  }
0x45: {  	[dreg:$0x0] =	wrdreg $0xFFFFFFFF;
	(pc) =	sbr.abs _section_cstart, $3  }
0x46: {  	[dreg:$0x1] =	wrdreg $0xFFFFFFFF  }
0x47: {  	_ =	task.clear_ibuf [dreg:s23], $0x2FFFF;
	_ =	strace $0x9FFFFFFF  }
0x48: {  	(tm) =	ssettm $0x7FFFFFFF  }
0x49: {  	_ =	shalt  }
tec
execute0_lowered:
.L_overlay_start_1:
0x0: {  	(tag) =	ssettag $0x1  }
0x1: {  	s1 =	rddreg [dreg:$0x0]  }
0x2: {  	s0 =	rddreg [dreg:$0x1]  }
0x3: {  	_ =	strace $0x8000004D;
	s4 =	srdreg.scid;
	s6 =	simm.s32 $0x2  }
0x4: {  	s12 =	simm.s32 $0x0;
	s11 =	simm.s32 $0x0;
	s13 =	simm.s32 $0x0  }
.Ltmp0:
0x5: {  	s8 =	simm.s32 $0x0;
	s9 =	simm.s32 $0x0;
	(pc) =	sbr.rel .LBB1_1-.Ltmp0, $4  }
0x6: {  	s2 =	sadd.s32 $0x105800, s1;
	s3 =	sadd.s32 $0x505800, s1;
	s5 =	sshll.u32 s4, $0x4  }
0x7: {  	s1 =	stileid.u32;
	s4 =	simm.s32 $0x1;
	s5 =	sand.u32 $0x10, s5  }
0x8: {  	s7 =	simm.s32 $0x0;
	[sflag:s4] =	ssyncpa.u1 $0x0;
	s5 =	sor.u32 s1, s5  }
0x9: {  	[sflag:s6] =	ssyncpa.u1 $0x0;
	s6 =	simm.s32 $0x80;
	s10 =	smov.u32 s5  }
.LBB1_7:
0xa: {  	s14 =	sadd.s32 $0x2, s8  }
0xb: {  	s11 =	sadd.s32 $0x40, s9;
	s15 =	smov.u32 s9;
	p1 =	sgt.s32 s14, $0x1F  }
0xc: {  	s15 =	smov.u32 @p1 s11  }
0xd: {  	s17 =	smov.u32 s10;
	s11 =	sadd.s32 $0x20, s10;
	p2 =	sgt.s32 s15, $0x3F  }
0xe: {  	p0 =	slt.u32 s7, $0x2;
	s17 =	smov.u32 @p2 s11  }
0xf: {  	s7 =	sadd.s32 $0x1, s7;
	s14 =	simm.s32 @p1 $0x0;
	p1 =	sgt.s32 s17, $0x1F  }
0x10: {  	s17 =	smov.u32 @p1 s5;
	p1 =	sne.s32 s7, $0x12  }
.Ltmp1:
0x11: {  	s16 =	simm.s32 @!p0 $0x2;
	(pc) =	sbr.rel @!p1 .LBB1_8-.Ltmp1, $4  }
0x12: {  	_ =	swait.ge @!p0 [sflag:s16], $0x4000  }
0x13: {  	s12 =	smov.u32 s8;
	s13 =	smov.u32 s10;
	[sflag:s16] =	ssyncset.done @!p0 $0x0  }
0x14: {  	s8 =	smov.u32 s14;
	s15 =	simm.s32 @p2 $0x0;
	s11 =	smov.u32 s9  }
0x15: {  	[sflag:s16] =	ssyncadd.s32 @!p0 $0xFFFFC000;
	s9 =	smov.u32 s15;
	s10 =	smov.u32 s17  }
.LBB1_1:
0x16: {  	p0 =	sgt.u32 s7, $0xF  }
0x17: {  	s14 =	sxor.u32 @!p0 $0xFFFFFFFF, s7;
	s15 =	sshll.u32 @!p0 s10, $0xF;
	s16 =	sshll.u32 @!p0 s9, $0x9  }
0x18: {  	s17 =	sshll.u32 @!p0 s8, $0x4;
	s14 =	sshll.u32 @!p0 s14, $0xE;
	s15 =	sadd.s32 @!p0 s2, s15  }
0x19: {  	s17 =	sand.u32 @!p0 $0x1F0, s17;
	s14 =	sand.u32 @!p0 $0x4000, s14;
	s15 =	sadd.s32 @!p0 s16, s15  }
0x1a: {  	s16 =	simm.s32 @!p0 $0x100;
	s15 =	sadd.s32 @!p0 s17, s15;
	s17 =	simm.s32 @!p0 $0x1000  }
0x1b: {  	[tilespmem:s14], [sflag:$0x1] =	stream.strided.gather @!p0 [hbm4b:s15+s16], $0x4000, s17, s16, $0x38;
	[tilespmem:$0x10200] =	vst v63  }
0x1c: {  	p0 =	seq.s32 s7, $0x0  }
0x1d: {  	p1 =	seq.s32 @!p0 s7, $0x11  }
0x1e: {  	p0 =	por p0, p1  }
.Ltmp2:
0x1f: {  	_ = 	snop;
	(pc) =	sbr.rel @p0 .LBB1_7-.Ltmp2, $1  }
0x20: {  	_ =	sdelay $0x3  }
0x21: {  	s14 =	sand.u32 $0x1, s7  }
0x22: {  	_ =	swait.ge [sflag:s4], $0x4000;
	s15 =	smul.u32 $0x10400, s14  }
0x23: {  	[sflag:s4] =	ssyncset.done $0x0  }
0x24: {  	[sflag:s4] =	ssyncadd.s32 $0xFFFFC000;
	s16 =	sshrl.u32 s15, $0x2  }
0x25: {  	s15 =	sshll.u32 s14, $0xE;
	s14 =	sor.u32 $0x8000, s16;
	s16 =	simm.s32 $0x0  }
.LBB1_3:
0x26: {  	s17 =	sshll.u32 s16, $0x8  }
0x27: {  	s17 =	sand.u32 $0x3FFFFF00, s17  }
0x28: {  	s17 =	sadd.s32 s17, s15  }
0x29: {  	v0 =	vmov s17;
	_ =	sdelay $0x1  }
0x2a: {  	p0 =	por $0x1, $0x1;
	s17 =	simm.s32 $0x0  }
.LBB1_4:
0x2b: {  	s18 =	sshll.u32 s17, $0x7  }
0x2c: {  	s18 =	sand.u32 $0x3FFFFF80, s18  }
0x2d: {  	s31 =	smul.u32 $0x8200, s17;
	v1 =	vld.idx.msk [tilespmem:v0+s18+$0x0 ss:$0x1], $0xffff  }
0x2e: {  	v2 =	vld.idx.msk [tilespmem:v0+s18+$0x10 ss:$0x1], $0xffff  }
0x2f: {  	s17 =	sshra.s32 s31, $0x2;
	v3 =	vld.idx.msk [tilespmem:v0+s18+$0x20 ss:$0x1], $0xffff  }
0x30: {  	v4 =	vld.idx.msk [tilespmem:v0+s18+$0x30 ss:$0x1], $0xffff;
	s17 =	sadd.s32 s17, s14  }
0x31: {  	v5 =	vld.idx.msk [tilespmem:v0+s18+$0x40 ss:$0x1], $0xffff;
	s17 =	sadd.s32 s16, s17  }
0x32: {  	[tilespmem:s17+$0x0 ss:$0x41] =	vst.msk $0xffff, v1;
	v1 =	vld.idx.msk [tilespmem:v0+s18+$0x50 ss:$0x1], $0xffff  }
0x33: {  	[tilespmem:s17+$0x410 ss:$0x41] =	vst.msk $0xffff, v2;
	v2 =	vld.idx.msk [tilespmem:v0+s18+$0x60 ss:$0x1], $0xffff  }
0x34: {  	p1 =	por p0, p0;
	[tilespmem:s17+$0x820 ss:$0x41] =	vst.msk $0xffff, v3;
	v3 =	vld.idx.msk [tilespmem:v0+s18+$0x70 ss:$0x1], $0xffff  }
.Ltmp3:
0x35: {  	[tilespmem:s17+$0xC30 ss:$0x41] =	vst.msk $0xffff, v4;
	(pc) =	sbr.rel @p1 .LBB1_4-.Ltmp3, $4  }
0x36: {  	[tilespmem:s17+$0x1040 ss:$0x41] =	vst.msk $0xffff, v5  }
0x37: {  	[tilespmem:s17+$0x1450 ss:$0x41] =	vst.msk $0xffff, v1  }
0x38: {  	[tilespmem:s17+$0x1860 ss:$0x41] =	vst.msk $0xffff, v2  }
0x39: {  	p0 =	por $0x0, $0x0;
	[tilespmem:s17+$0x1C70 ss:$0x41] =	vst.msk $0xffff, v3;
	s17 =	simm.s32 $0x1  }
0x3a: {  	s16 =	sadd.s32 $0x1, s16  }
0x3b: {  	p0 =	sne.s32 s16, $0x40  }
.Ltmp4:
0x3c: {  	_ = 	snop;
	(pc) =	sbr.rel @p0 .LBB1_3-.Ltmp4, $1  }
0x3d: {  	_ =	sdelay $0x3  }
0x3e: {  	s13 =	sshll.u32 s13, $0x10;
	s15 =	sand.u32 $0x780, s11  }
.Ltmp5:
0x3f: {  	s12 =	sshll.u32 s12, $0xB;
	s13 =	sadd.s32 s3, s13;
	(pc) =	sbr.rel .LBB1_7-.Ltmp5, $4  }
0x40: {  	s16 =	sshrl.u32 s11, $0x3;
	s30 =	sand.u32 $0x7, s11;
	s13 =	sadd.s32 s15, s13  }
0x41: {  	s31 =	sand.u32 $0xF, s16;
	s11 =	sshll.u32 s30, $0x12;
	s12 =	sadd.s32 s12, s13  }
0x42: {  	s11 =	sor.u32 $0x40, s11;
	s12 =	sadd.s32 s31, s12  }
0x43: {  	[hbm4b:s12+s11] =	stream.strided.scatter [tilespmem:s14], [sflag:$0x2], $0x4000, s6, s11, $0x18;
	[tilespmem:$0x10200] =	vst v63  }
.LBB1_8:
0x44: {  	_ =	sfence.sel $0x180000  }
0x45: {  	s2 =	simm.s32 $0x1;
	[bflag:$0x0] =	sbarrier.arrive $0xFFFF  }
0x46: {  	s31 =	simm.s32 $0x2;
	[sflag:s2] =	ssyncpa.u1 $0x1  }
0x47: {  	[sflag:s31] =	ssyncpa.u1 $0x1  }
0x48: {  	p0 =	sne.s32 s1, $0x0;
	_ =	strace $0x9000004D  }
0x49: {  	s0 =	sadd.s32 @!p0 $0x100000, s0;
	[bflag:$0x2] =	sbarrier.arrive $0xFFFF  }
0x4a: {  	[sflag:s0] =	ssyncadd.tile.s32 @!p0 $0x1;
	_ =	shalt  }
.Lfunc_end1:
_tile_overlayer_lowered:
.L_overlay_start_2:
0x4b: {  	(tag) =	ssettag $0x2  }
0x4c: {  	s0 =	rddreg [dreg:$0x0];
	s2 =	stileid.u32  }
0x4d: {  	s1 =	rddreg [dreg:$0x1];
	p0 =	sne.s32 s2, $0x0  }
0x4e: {  	s3 =	rddreg [dreg:$0x2];
	[bflag:$0x3] =	sbarrier.arrive $0xFFFF;
	s2 =	simm.s32 @!p0 $0x1C01  }
0x4f: {  	[timem:s3], [sflag:s2] =	dma.local @!p0 [hbm:s0], s1  }
0x50: {  	s0 =	simm.s32 @!p0 $0x1  }
0x51: {  	_ =	swait.ge @!p0 [sflag:s0], s1  }
0x52: {  	s1 =	ssub.s32 @!p0 $0x0, s1;
	[sflag:s0] =	ssyncset.done @!p0 $0x0  }
0x53: {  	[sflag:s0] =	ssyncadd.s32 @!p0 s1  }
0x54: {  	[bflag:$0x3] =	sbarrier.arrive $0xFFFF  }
0x55: {  	_ =	shalt  }

// kernel: sparse-core-data-format-call.6.cloned.1.call-start
scs
called_computation.6_lowered:
.L_overlay_start_0:
0x0: {  	s1 =	sld [smem:$0x3FD9]  }
0x1: {  	s2 =	sld [smem:$0x3FFE];
	_ =	sdelay $0x1  }
0x2: {  	s3 =	srdreg.scid  }
0x3: {  	s0 =	sand.u32 $0x1, s3  }
0x4: {  	s17 =	sshll.u32 s0, $0xA;
	s1 =	sadd.s32 s2, s1  }
0x5: {  	s1 =	sadd.s32 s1, s17  }
0x6: {  	[smem:$0x3FC5] =	sst s1  }
0x7: {  	_ = 	snop  }
0x8: {  	(tm) =	ssettm $0x1  }
0x9: {  	s18 =	sld [smem:$0x3FFB];
	_ =	sdelay $0x3  }
0xa: {  	_ =	strace s18  }
0xb: {  	s1 =	sld [smem:$0x3FFC];
	_ =	sdelay $0x3  }
0xc: {  	_ =	strace s1  }
0xd: {  	s1 =	sld [smem:$0x3FFD];
	_ =	sdelay $0x3  }
0xe: {  	_ =	strace s1  }
0xf: {  	_ =	strace $0x8FFFFFFF  }
0x10: {  	s19 =	sld [smem:$0x3FDB];
	_ =	sdelay $0x1  }
0x11: {  	s20 =	simm.s32 $_scs_section_size  }
0x12: {  	s4 =	simm.s32 $_size__tile_overlayer_lowered;
	s5 =	simm.s32 $_tile_overlayer_lowered  }
0x13: {  	s23 =	simm.s32 $0x1BFF;
	s22 =	sshll.u32 s5, $0x1;
	s1 =	sadd.s32 s20, s19  }
0x14: {  	s6 =	simm.s32 $0x0;
	s21 =	sshll.u32 s4, $0x1;
	s4 =	sadd.s32 s22, s1  }
0x15: {  	[timem:s6], [sflag:s23] =	dma.local [hbm:s4], s21  }
0x16: {  	_ =	swait.ge [sflag:s23], s21  }
0x17: {  	s2 =	ssub.s32 $0x0, s21;
	[sflag:s23] =	ssyncset.done $0x0  }
0x18: {  	[sflag:s23] =	ssyncadd.s32 s2;
	_ =	sdelay $0x1  }
0x19: {  	s24 =	simm.s32 $0x1B8B  }
0x1a: {  	_ =	swait.ge [sflag:s24], $0x1  }
0x1b: {  	[sflag:s24] =	ssyncset.done $0x0  }
0x1c: {  	s26 =	simm.s32 $0x1B8E;
	s25 =	sld [smem:$0x3FFE];
	[sflag:s24] =	ssyncadd.s32 $0xFFFFFFFF  }
0x1d: {  	s27 =	simm.s32 $execute0_lowered;
	[smem:$0x3FD2] =	sst s26  }
0x1e: {  	s4 =	sshll.u32 s27, $0x1;
	_ =	strace $0x80000046;
	[dreg:$0x1] =	wrdreg $0xFFFFFFFF  }
0x1f: {  	s28 =	simm.s32 $_size_execute0_lowered;
	s1 =	sadd.s32 s1, s4;
	[dreg:$0x0] =	wrdreg $0x0  }
0x20: {  	s4 =	sshll.u32 s28, $0x1;
	[dreg:$0x2] =	wrdreg s1  }
0x21: {  	[dreg:$0x3] =	wrdreg s4  }
0x22: {  	[dreg:$0x4] =	wrdreg $0xC0  }
0x23: {  	_ =	task [dreg:s6], $0x5FFFF  }
0x24: {  	[dreg:$0x1] =	wrdreg $0xFFFFFFFF  }
0x25: {  	[dreg:$0x0] =	wrdreg $0x60  }
0x26: {  	[dreg:$0x2] =	wrdreg s25  }
0x27: {  	[dreg:$0x3] =	wrdreg $0x9  }
0x28: {  	_ =	task.clear_ibuf [dreg:s6], $0x4FFFF;
	_ =	strace $0x90000046  }
0x29: {  	s29 =	simm.s32 $0x9;
	_ =	strace $0x80000048  }
0x2a: {  	_ =	swait.ge [sflag:s29], $0x1  }
0x2b: {  	[sflag:s29] =	ssyncadd.s32 $0xFFFFFFFF  }
0x2c: {  	_ =	strace $0x90000048  }
0x2d: {  	_ =	sfence  }
0x2e: {  	s30 =	sld [smem:$0x0];
	_ =	sdelay $0x2  }
0x2f: {  	s31 =	sshll.u32 s3, $0xD;
	s3 =	sshrl.u32 s3, $0x2  }
0x30: {  	s2 =	sand.u32 $0x4000, s31;
	s1 =	sadd.s32 s3, s30  }
0x31: {  	s0 =	sor.u32 s2, s0;
	s1 =	sshll.u32 s1, $0x11  }
0x32: {  	s0 =	sor.u32 s1, s0  }
0x33: {  	s0 =	sadd.s32 $0x8F2B, s0  }
0x34: {  	[sflag:s0] =	ssyncadd.remote.s32 $0x1  }
0x35: {  	_ =	sfence.sel $0xFFFF  }
0x36: {  	[dreg:$0x0] =	wrdreg $0xFFFFFFFF;
	(pc) =	sbr.abs _section_cstart, $3  }
0x37: {  	[dreg:$0x1] =	wrdreg $0xFFFFFFFF  }
0x38: {  	_ =	task.clear_ibuf [dreg:s6], $0x2FFFF;
	_ =	strace $0x9FFFFFFF  }
0x39: {  	(tm) =	ssettm $0x7FFFFFFF  }
tec
execute0_lowered:
.L_overlay_start_1:
0x0: {  	(tag) =	ssettag $0x1  }
0x1: {  	s0 =	stileid.u32;
	s7 =	rddreg [dreg:$0x0]  }
0x2: {  	s3 =	srdreg.scid;
	s1 =	rddreg [dreg:$0x1];
	_ =	strace $0x80000047  }
0x3: {  	s31 =	simm.s32 $0x2;
	s16 =	simm.s32 $0x0;
	s14 =	simm.s32 $0x0  }
0x4: {  	s15 =	simm.s32 $0x0;
	s11 =	simm.s32 $0x0;
	s2 =	sshll.u32 s0, $0x1  }
0x5: {  	s13 =	simm.s32 $0x0;
	s3 =	sand.u32 $0x1, s3;
	s4 =	ssub.s32 $0x20, s2  }
0x6: {  	s6 =	ssub.s32 $0x20, s3;
	s10 =	smov.u32 s3;
	s5 =	sand.u32 $0x1E, s4  }
0x7: {  	s4 =	sshrl.u32 s4, $0x5;
	p0 =	sne.s32 s5, $0x0;
	s5 =	simm.s32 $0x1  }
.Ltmp0:
0x8: {  	s8 =	sshrl.u32 s6, $0x1;
	s5 =	simm.s32 @!p0 $0x0;
	(pc) =	sbr.rel .LBB1_1-.Ltmp0, $4  }
0x9: {  	s12 =	smov.u32 s2;
	s6 =	ssub.s32 s6, s8;
	s9 =	sadd.s32 s5, s4  }
0xa: {  	p0 =	por $0x0, $0x0;
	s5 =	simm.s32 $0x1;
	s6 =	smul.u32 s6, s9  }
0xb: {  	s4 =	sadd.s32 $0x5800, s7;
	s7 =	sadd.s32 $0x205800, s7;
	[sflag:s5] =	ssyncpa.u1 $0x0  }
0xc: {  	s9 =	simm.s32 $0x1000;
	[sflag:s31] =	ssyncpa.u1 $0x0;
	s8 =	sadd.s32 $0x1, s6  }
.LBB1_7:
0xd: {  	s17 =	sadd.s32 $0x2, s10  }
0xe: {  	s14 =	sadd.s32 $0x80, s11;
	s18 =	smov.u32 s11;
	p2 =	sgt.s32 s17, $0x1F  }
0xf: {  	s18 =	smov.u32 @p2 s14  }
0x10: {  	s20 =	smov.u32 s12;
	s14 =	sadd.s32 $0x20, s12;
	p3 =	sgt.s32 s18, $0x7F  }
0x11: {  	s20 =	smov.u32 @p3 s14  }
0x12: {  	s17 =	smov.u32 @p2 s3;
	p2 =	sgt.s32 s20, $0x1F  }
0x13: {  	p1 =	slt.u32 s13, $0x2;
	s20 =	smov.u32 @p2 s2;
	p2 =	sne.s32 s13, s8  }
.Ltmp1:
0x14: {  	s19 =	simm.s32 @!p1 $0x2;
	(pc) =	sbr.rel @!p2 .LBB1_8-.Ltmp1, $4  }
0x15: {  	s16 =	smov.u32 s10;
	s15 =	smov.u32 s12;
	_ =	swait.ge @!p1 [sflag:s19], $0x4000  }
0x16: {  	p0 =	por !p0, !p0;
	[sflag:s19] =	ssyncset.done @!p1 $0x0;
	s10 =	smov.u32 s17  }
0x17: {  	s18 =	simm.s32 @p3 $0x0;
	s14 =	smov.u32 s11;
	[sflag:s19] =	ssyncadd.s32 @!p1 $0xFFFFC000  }
0x18: {  	s11 =	smov.u32 s18;
	s13 =	sadd.s32 $0x1, s13;
	s12 =	smov.u32 s20  }
.LBB1_1:
0x19: {  	p1 =	sge.u32 s13, s6;
	s31 =	sadd.s32 $0xFFFFFFFF, s13  }
0x1a: {  	s17 =	sxor.u32 @!p1 $0xFFFFFFFF, s13;
	s18 =	sshll.u32 @!p1 s12, $0x10;
	s19 =	sshll.u32 @!p1 s11, $0x9  }
0x1b: {  	s20 =	sshll.u32 @!p1 s10, $0x4;
	s17 =	sshll.u32 @!p1 s17, $0xE;
	s18 =	sadd.s32 @!p1 s4, s18  }
0x1c: {  	s20 =	sand.u32 @!p1 $0x1F0, s20;
	s17 =	sand.u32 @!p1 $0x4000, s17;
	s18 =	sadd.s32 @!p1 s19, s18  }
0x1d: {  	s19 =	simm.s32 @!p1 $0x40;
	s18 =	sadd.s32 @!p1 s20, s18;
	s20 =	simm.s32 @!p1 $0x1000  }
0x1e: {  	[tilespmem:s17], [sflag:$0x1] =	stream.strided.gather @!p1 [hbm4b:s18+s19], $0x4000, s20, s19, $0x38;
	[tilespmem:$0x10100] =	vst v63  }
0x1f: {  	p1 =	sge.u32 s31, s6  }
.Ltmp2:
0x20: {  	_ = 	snop;
	(pc) =	sbr.rel @p1 .LBB1_7-.Ltmp2, $1  }
0x21: {  	_ =	sdelay $0x3  }
0x22: {  	s17 =	simm.s32 $0x1;
	s19 =	sand.u32 $0x1, s13  }
0x23: {  	_ =	swait.ge [sflag:s5], $0x4000;
	s17 =	simm.s32 @!p0 $0x0;
	s19 =	smul.u32 $0x10200, s19  }
0x24: {  	p2 =	por $0x1, $0x1;
	[sflag:s5] =	ssyncset.done $0x0;
	s18 =	smul.u32 $0x10200, s17  }
0x25: {  	s20 =	sshll.u32 s17, $0x10;
	[sflag:s5] =	ssyncadd.s32 $0xFFFFC000;
	s30 =	sshrl.u32 s19, $0x2  }
0x26: {  	s31 =	sshrl.u32 s20, $0x2;
	s20 =	simm.s32 $0x0;
	s18 =	sshrl.u32 s18, $0x2  }
0x27: {  	s17 =	sor.u32 $0x8000, s30;
	s19 =	sadd.s32 $0x20, s31;
	s18 =	sor.u32 $0x8000, s18  }
.LBB1_3:
0x28: {  	s21 =	sshll.u32 s20, $0xD  }
0x29: {  	s21 =	sand.u32 $0x3FFFE000, s21  }
0x2a: {  	s23 =	sadd.s32 s21, s19  }
0x2b: {  	s31 =	smul.u32 $0x8100, s20;
	v3 =	vld [tilespmem:s23+$0x10]  }
0x2c: {  	v1 =	vld [tilespmem:s23+$0xFFFFFFF0]  }
0x2d: {  	s20 =	sshra.s32 s31, $0x2;
	v0 =	vld [tilespmem:s23+$0x0]  }
0x2e: {  	s20 =	sadd.s32 s20, s18;
	v2 =	vld [tilespmem:s23+$0xFFFFFFE0]  }
0x2f: {  	s21 =	sadd.s32 $0x0, s20  }
0x30: {  	p1 =	por p2, p2;
	s22 =	simm.s32 $0x4;
	s23 =	sadd.s32 $0x40, s23;
	[tilespmem:s21+$0x1830 ss:$0x81] =	vst.msk $0xffff, v3  }
.LBB1_4:
0x31: {  	v3 =	vld [tilespmem:s23+$0x10];
	p2 =	sne.s32 s22, $0x1FC;
	[tilespmem:s21+$0x810 ss:$0x81] =	vst.msk $0xffff, v1;
	s24 =	smov.u32 s22;
	s22 =	sadd.s32 $0x4, s22  }
.Ltmp3:
0x32: {  	v1 =	vld [tilespmem:s23+$0xFFFFFFF0];
	[tilespmem:s21+$0x1020 ss:$0x81] =	vst.msk $0xffff, v0;
	(pc) =	sbr.rel @p2 .LBB1_4-.Ltmp3, $4  }
0x33: {  	v0 =	vld [tilespmem:s23+$0x0];
	[tilespmem:s21+$0x0 ss:$0x81] =	vst.msk $0xffff, v2  }
0x34: {  	s21 =	sshra.s32 s24, $0x2;
	v2 =	vld [tilespmem:s23+$0xFFFFFFE0]  }
0x35: {  	s21 =	sadd.s32 s21, s20  }
0x36: {  	s23 =	sadd.s32 $0x40, s23;
	[tilespmem:s21+$0x1830 ss:$0x81] =	vst.msk $0xffff, v3  }
.Ltmp4:
0x37: {  	(pc) =	sbr.rel @p1 .LBB1_3-.Ltmp4, $4  }
0x38: {  	_ = 	snop  }
0x39: {  	[tilespmem:s21+$0x810 ss:$0x81] =	vst.msk $0xffff, v1  }
0x3a: {  	[tilespmem:s21+$0x1020 ss:$0x81] =	vst.msk $0xffff, v0  }
0x3b: {  	s20 =	simm.s32 $0x1;
	p2 =	por $0x0, $0x0;
	[tilespmem:s21+$0x0 ss:$0x81] =	vst.msk $0xffff, v2  }
0x3c: {  	s16 =	sshll.u32 s16, $0x7;
	s18 =	sshll.u32 s14, $0x3  }
0x3d: {  	s15 =	sshll.u32 s15, $0xF;
	s19 =	sand.u32 $0xC00, s16;
	s18 =	sand.u32 $0xC00, s18  }
0x3e: {  	s30 =	sshrl.u32 s14, $0x3;
	s16 =	sand.u32 $0x380, s16;
	s18 =	sadd.s32 s18, s19  }
.Ltmp5:
0x3f: {  	s31 =	sand.u32 $0x7, s14;
	s16 =	sor.u32 s16, s18;
	(pc) =	sbr.rel .LBB1_7-.Ltmp5, $4  }
0x40: {  	s15 =	sadd.s32 s7, s15;
	s18 =	sand.u32 $0xF, s30;
	s16 =	sshrl.u32 s16, $0x3  }
0x41: {  	s14 =	sshll.u32 s31, $0x12;
	s15 =	sadd.s32 s18, s15;
	s16 =	sand.u32 $0x1F0, s16  }
0x42: {  	s14 =	sor.u32 $0x80, s14;
	s15 =	sadd.s32 s16, s15  }
0x43: {  	[hbm4b:s15+s14] =	stream.strided.scatter [tilespmem:s17], [sflag:$0x2], $0x4000, s9, s14, $0x20;
	[tilespmem:$0x10100] =	vst v63  }
.LBB1_8:
0x44: {  	_ =	sfence.sel $0x180000  }
0x45: {  	s2 =	simm.s32 $0x1;
	[bflag:$0x0] =	sbarrier.arrive $0xFFFF  }
0x46: {  	s31 =	simm.s32 $0x2;
	[sflag:s2] =	ssyncpa.u1 $0x1  }
0x47: {  	[sflag:s31] =	ssyncpa.u1 $0x1  }
0x48: {  	p0 =	sne.s32 s0, $0x0;
	_ =	strace $0x90000047  }
0x49: {  	s0 =	sadd.s32 @!p0 $0x100000, s1;
	[bflag:$0x2] =	sbarrier.arrive $0xFFFF  }
0x4a: {  	[sflag:s0] =	ssyncadd.tile.s32 @!p0 $0x1;
	_ =	shalt  }
.Lfunc_end1:
_tile_overlayer_lowered:
.L_overlay_start_2:
0x4b: {  	(tag) =	ssettag $0x2  }
0x4c: {  	s0 =	rddreg [dreg:$0x0];
	s2 =	stileid.u32  }
0x4d: {  	s1 =	rddreg [dreg:$0x1];
	p0 =	sne.s32 s2, $0x0  }
0x4e: {  	s3 =	rddreg [dreg:$0x2];
	[bflag:$0x3] =	sbarrier.arrive $0xFFFF;
	s2 =	simm.s32 @!p0 $0x1C01  }
0x4f: {  	[timem:s3], [sflag:s2] =	dma.local @!p0 [hbm:s0], s1  }
0x50: {  	s0 =	simm.s32 @!p0 $0x1  }
0x51: {  	_ =	swait.ge @!p0 [sflag:s0], s1  }
0x52: {  	s1 =	ssub.s32 @!p0 $0x0, s1;
	[sflag:s0] =	ssyncset.done @!p0 $0x0  }
0x53: {  	[sflag:s0] =	ssyncadd.s32 @!p0 s1  }
0x54: {  	[bflag:$0x3] =	sbarrier.arrive $0xFFFF  }
0x55: {  	_ =	shalt  }

// kernel: sparse-core-data-format-call.cloned.1.call-start
scs
called_computation_lowered:
.L_overlay_start_0:
0x0: {  	s2 =	sld [smem:$0x3FD9]  }
0x1: {  	s3 =	sld [smem:$0x3FFE];
	_ =	sdelay $0x1  }
0x2: {  	s1 =	srdreg.scid  }
0x3: {  	s0 =	sand.u32 $0x1, s1  }
0x4: {  	s15 =	sshll.u32 s0, $0xA;
	s2 =	sadd.s32 s3, s2  }
0x5: {  	s2 =	sadd.s32 s2, s15  }
0x6: {  	[smem:$0x3FC5] =	sst s2  }
0x7: {  	_ = 	snop  }
0x8: {  	s2 =	sld [smem:$0x3FD0];
	_ =	sdelay $0x2  }
0x9: {  	s16 =	simm.s32 $0xC;
	s4 =	simm.s32 $0x10  }
0xa: {  	[smem:s4], [sflag:s16] =	dma.local [hbm:s2], $0x1  }
0xb: {  	_ =	swait.eq [sflag:s16], $0x1  }
0xc: {  	[sflag:s16] =	ssyncset.done $0x0  }
0xd: {  	[sflag:s16] =	ssyncadd.s32 $0xFFFFFFFF  }
0xe: {  	s17 =	sld [smem:$0x12];
	(tm) =	ssettm $0x1  }
0xf: {  	s18 =	sld [smem:$0x3FFB];
	_ =	sdelay $0x3  }
0x10: {  	_ =	strace s18  }
0x11: {  	s3 =	sld [smem:$0x3FFC];
	_ =	sdelay $0x3  }
0x12: {  	_ =	strace s3  }
0x13: {  	s3 =	sld [smem:$0x3FFD];
	_ =	sdelay $0x3  }
0x14: {  	_ =	strace s3  }
0x15: {  	_ =	strace $0x8FFFFFFF  }
0x16: {  	s19 =	sld [smem:$0x3FDB];
	_ =	sdelay $0x1  }
0x17: {  	s20 =	simm.s32 $_scs_section_size  }
0x18: {  	s5 =	simm.s32 $_size__tile_overlayer_lowered;
	s6 =	simm.s32 $_tile_overlayer_lowered  }
0x19: {  	s23 =	simm.s32 $0x1BFF;
	s22 =	sshll.u32 s6, $0x1;
	s3 =	sadd.s32 s20, s19  }
0x1a: {  	s7 =	simm.s32 $0x0;
	s21 =	sshll.u32 s5, $0x1;
	s5 =	sadd.s32 s22, s3  }
0x1b: {  	[timem:s7], [sflag:s23] =	dma.local [hbm:s5], s21  }
0x1c: {  	_ =	swait.ge [sflag:s23], s21  }
0x1d: {  	s4 =	ssub.s32 $0x0, s21;
	[sflag:s23] =	ssyncset.done $0x0  }
0x1e: {  	[sflag:s23] =	ssyncadd.s32 s4;
	_ =	sdelay $0x1  }
0x1f: {  	s24 =	simm.s32 $0x1B8B  }
0x20: {  	_ =	swait.ge [sflag:s24], $0x1  }
0x21: {  	[sflag:s24] =	ssyncset.done $0x0  }
0x22: {  	s26 =	simm.s32 $0x1B8E;
	s25 =	sld [smem:$0x3FFE];
	[sflag:s24] =	ssyncadd.s32 $0xFFFFFFFF  }
0x23: {  	s27 =	simm.s32 $execute0_lowered;
	[smem:$0x3FD2] =	sst s26  }
0x24: {  	s5 =	sshll.u32 s27, $0x1;
	_ =	strace $0x80000058;
	[dreg:$0x1] =	wrdreg $0xFFFFFFFF  }
0x25: {  	s28 =	simm.s32 $_size_execute0_lowered;
	s3 =	sadd.s32 s3, s5;
	[dreg:$0x0] =	wrdreg $0x0  }
0x26: {  	s5 =	sshll.u32 s28, $0x1;
	[dreg:$0x2] =	wrdreg s3  }
0x27: {  	[dreg:$0x3] =	wrdreg s5  }
0x28: {  	[dreg:$0x4] =	wrdreg $0xC0  }
0x29: {  	_ =	task [dreg:s7], $0x5FFFF  }
0x2a: {  	[dreg:$0x1] =	wrdreg $0xFFFFFFFF  }
0x2b: {  	[dreg:$0x0] =	wrdreg $0x60  }
0x2c: {  	[dreg:$0x2] =	wrdreg s25  }
0x2d: {  	[dreg:$0x3] =	wrdreg s17  }
0x2e: {  	[dreg:$0x4] =	wrdreg $0x9  }
0x2f: {  	_ =	task.clear_ibuf [dreg:s7], $0x5FFFF;
	_ =	strace $0x90000058  }
0x30: {  	s29 =	simm.s32 $0x9;
	_ =	strace $0x8000005A  }
0x31: {  	_ =	swait.ge [sflag:s29], $0x1  }
0x32: {  	[sflag:s29] =	ssyncadd.s32 $0xFFFFFFFF  }
0x33: {  	_ =	strace $0x9000005A  }
0x34: {  	_ =	sfence  }
0x35: {  	s30 =	sld [smem:$0x0];
	_ =	sdelay $0x2  }
0x36: {  	s31 =	sshll.u32 s1, $0xD;
	s1 =	sshrl.u32 s1, $0x2  }
0x37: {  	s3 =	sand.u32 $0x4000, s31;
	s1 =	sadd.s32 s1, s30  }
0x38: {  	s0 =	sor.u32 s3, s0;
	s1 =	sshll.u32 s1, $0x11  }
0x39: {  	s0 =	sor.u32 s1, s0  }
0x3a: {  	s0 =	sadd.s32 $0x8F2B, s0  }
0x3b: {  	[sflag:s0] =	ssyncadd.remote.s32 $0x1  }
0x3c: {  	_ =	sfence.sel $0xFFFF  }
0x3d: {  	[dreg:$0x0] =	wrdreg $0xFFFFFFFF;
	(pc) =	sbr.abs _section_cstart, $3  }
0x3e: {  	[dreg:$0x1] =	wrdreg $0xFFFFFFFF  }
0x3f: {  	_ =	task.clear_ibuf [dreg:s7], $0x2FFFF;
	_ =	strace $0x9FFFFFFF  }
0x40: {  	(tm) =	ssettm $0x7FFFFFFF  }
0x41: {  	_ =	shalt  }
tec
execute0_lowered:
.L_overlay_start_1:
0x0: {  	(tag) =	ssettag $0x1  }
0x1: {  	s1 =	rddreg [dreg:$0x0]  }
0x2: {  	s2 =	rddreg [dreg:$0x1]  }
0x3: {  	s0 =	rddreg [dreg:$0x2];
	_ =	strace $0x80000059;
	s4 =	srdreg.scid  }
0x4: {  	s6 =	simm.s32 $0x2;
	s11 =	simm.s32 $0x0;
	p0 =	por $0x0, $0x0  }
.Ltmp0:
0x5: {  	s7 =	simm.s32 $0x400;
	s12 =	simm.s32 $0x0;
	(pc) =	sbr.rel .LBB1_1-.Ltmp0, $4  }
0x6: {  	s9 =	simm.s32 $0x0;
	s3 =	sadd.s32 $0x105800, s1;
	s5 =	sshll.u32 s4, $0x4  }
0x7: {  	s1 =	stileid.u32;
	s4 =	simm.s32 $0x1;
	s5 =	sand.u32 $0x10, s5  }
0x8: {  	s8 =	simm.s32 $0x0;
	[sflag:s4] =	ssyncpa.u1 $0x0;
	s5 =	sor.u32 s1, s5  }
0x9: {  	[sflag:s6] =	ssyncpa.u1 $0x0;
	s6 =	simm.s32 $0x200;
	s10 =	smov.u32 s5  }
.LBB1_7:
0xa: {  	s13 =	sadd.s32 $0x4, s9  }
0xb: {  	s11 =	sadd.s32 $0x20, s10;
	s15 =	smov.u32 s10;
	p2 =	sgt.s32 s13, $0x7  }
0xc: {  	p1 =	slt.u32 s8, $0x2;
	s15 =	smov.u32 @p2 s11  }
0xd: {  	s8 =	sadd.s32 $0x1, s8;
	s13 =	simm.s32 @p2 $0x0;
	p2 =	sgt.s32 s15, $0xFF  }
0xe: {  	s15 =	smov.u32 @p2 s5;
	p2 =	sne.s32 s8, $0x12  }
.Ltmp1:
0xf: {  	_ = 	snop;
	(pc) =	sbr.rel @!p2 .LBB1_8-.Ltmp1, $4  }
0x10: {  	s14 =	simm.s32 @!p1 $0x2  }
0x11: {  	s12 =	smov.u32 s10;
	_ =	swait.ge @!p1 [sflag:s14], $0x4000  }
0x12: {  	p0 =	por !p0, !p0;
	s11 =	smov.u32 s9;
	[sflag:s14] =	ssyncset.done @!p1 $0x0  }
0x13: {  	s9 =	smov.u32 s13;
	[sflag:s14] =	ssyncadd.s32 @!p1 $0xFFFFC000;
	s10 =	smov.u32 s15  }
.LBB1_1:
0x14: {  	p1 =	sgt.u32 s8, $0xF  }
0x15: {  	s13 =	sxor.u32 @!p1 $0xFFFFFFFF, s8;
	s14 =	sshll.u32 @!p1 s10, $0xC  }
0x16: {  	s15 =	sshll.u32 @!p1 s9, $0x9;
	s13 =	sshll.u32 @!p1 s13, $0xE;
	s14 =	sadd.s32 @!p1 s3, s14  }
0x17: {  	s13 =	sand.u32 @!p1 $0x4000, s13;
	s14 =	sadd.s32 @!p1 s15, s14;
	s15 =	simm.s32 @!p1 $0x0  }
0x18: {  	[tilespmem:s13], [sflag:$0x1] =	stream.linear.gather @!p1 [hbm4b:s14+s15], $0x4000, $0x38;
	[tilespmem:$0x10000] =	vst v63  }
0x19: {  	p1 =	seq.s32 s8, $0x0  }
0x1a: {  	p2 =	seq.s32 @!p1 s8, $0x11  }
0x1b: {  	p1 =	por p1, p2  }
.Ltmp2:
0x1c: {  	_ = 	snop;
	(pc) =	sbr.rel @p1 .LBB1_7-.Ltmp2, $1  }
0x1d: {  	_ =	sdelay $0x3  }
0x1e: {  	s13 =	simm.s32 $0x1;
	_ =	swait.ge [sflag:s4], $0x4000;
	s16 =	sshll.u32 s8, $0xE  }
0x1f: {  	s13 =	simm.s32 @!p0 $0x0;
	[sflag:s4] =	ssyncset.done $0x0;
	s31 =	sand.u32 $0x4000, s16  }
0x20: {  	s16 =	simm.s32 $0x0;
	s14 =	sshll.u32 s13, $0xE;
	[sflag:s4] =	ssyncadd.s32 $0xFFFFC000  }
0x21: {  	s13 =	sor.u32 $0x8040, s14;
	s15 =	sor.u32 $0x40, s14;
	s14 =	sor.u32 $0x8000, s31  }
.LBB1_3:
0x22: {  	v0 =	vmov s15;
	_ =	sdelay $0x3  }
0x23: {  	s18 =	simm.s32 $0x0  }
0x24: {  	v6 =	vld.idx.msk [tilespmem:v0+s18+$0x30 ss:$0x1], $0xffff  }
0x25: {  	v7 =	vld.idx.msk [tilespmem:v0+s18+$0xFFFFFFC0 ss:$0x1], $0xffff  }
0x26: {  	v5 =	vld.idx.msk [tilespmem:v0+s18+$0xFFFFFFD0 ss:$0x1], $0xffff  }
0x27: {  	v4 =	vld.idx.msk [tilespmem:v0+s18+$0xFFFFFFE0 ss:$0x1], $0xffff  }
0x28: {  	v3 =	vld.idx.msk [tilespmem:v0+s18+$0xFFFFFFF0 ss:$0x1], $0xffff  }
0x29: {  	v1 =	vld.idx.msk [tilespmem:v0+s18+$0x0 ss:$0x1], $0xffff  }
0x2a: {  	v2 =	vld.idx.msk [tilespmem:v0+s18+$0x10 ss:$0x1], $0xffff;
	[tilespmem:s13+$0x30] =	vst v6  }
0x2b: {  	s17 =	simm.s32 $0x80;
	s19 =	simm.s32 $0x400;
	[tilespmem:s13+$0xFFFFFFC0] =	vst v7;
	v6 =	vld.idx.msk [tilespmem:v0+s18+$0x20 ss:$0x1], $0xffff;
	s18 =	smov.u32 s13  }
.LBB1_4:
0x2c: {  	p1 =	sne.s32 s19, $0x3E00;
	v7 =	vld.idx.msk [tilespmem:v0+s17+$0x30 ss:$0x1], $0xffff;
	[tilespmem:s18+$0xFFFFFFD0] =	vst v5  }
0x2d: {  	v8 =	vld.idx.msk [tilespmem:v0+s17+$0xFFFFFFC0 ss:$0x1], $0xffff;
	[tilespmem:s18+$0xFFFFFFE0] =	vst v4  }
0x2e: {  	v5 =	vld.idx.msk [tilespmem:v0+s17+$0xFFFFFFD0 ss:$0x1], $0xffff;
	[tilespmem:s18+$0xFFFFFFF0] =	vst v3  }
.Ltmp3:
0x2f: {  	v4 =	vld.idx.msk [tilespmem:v0+s17+$0xFFFFFFE0 ss:$0x1], $0xffff;
	[tilespmem:s18+$0x0] =	vst v1;
	(pc) =	sbr.rel @p1 .LBB1_4-.Ltmp3, $4  }
0x30: {  	v3 =	vld.idx.msk [tilespmem:v0+s17+$0xFFFFFFF0 ss:$0x1], $0xffff;
	[tilespmem:s18+$0x10] =	vst v2  }
0x31: {  	v1 =	vld.idx.msk [tilespmem:v0+s17+$0x0 ss:$0x1], $0xffff;
	[tilespmem:s18+$0x20] =	vst v6;
	s18 =	sadd.s32 $0x200, s18  }
0x32: {  	v2 =	vld.idx.msk [tilespmem:v0+s17+$0x10 ss:$0x1], $0xffff;
	[tilespmem:s18+$0x30] =	vst v7  }
0x33: {  	[tilespmem:s18+$0xFFFFFFC0] =	vst v8;
	v6 =	vld.idx.msk [tilespmem:v0+s17+$0x20 ss:$0x1], $0xffff;
	s17 =	sshra.s32 s19, $0x2;
	s19 =	sadd.s32 $0x200, s19  }
0x34: {  	_ =	sdelay $0x2  }
0x35: {  	[tilespmem:s18+$0xFFFFFFD0] =	vst v5  }
0x36: {  	v56 =	vld.idx.msk [tilespmem:v0+s17+$0x30 ss:$0x1], $0xffff;
	[tilespmem:s18+$0xFFFFFFE0] =	vst v4  }
0x37: {  	v57 =	vld.idx.msk [tilespmem:v0+s17+$0xFFFFFFC0 ss:$0x1], $0xffff;
	[tilespmem:s18+$0xFFFFFFF0] =	vst v3  }
0x38: {  	v58 =	vld.idx.msk [tilespmem:v0+s17+$0xFFFFFFD0 ss:$0x1], $0xffff;
	[tilespmem:s18+$0x0] =	vst v1  }
0x39: {  	v59 =	vld.idx.msk [tilespmem:v0+s17+$0xFFFFFFE0 ss:$0x1], $0xffff;
	[tilespmem:s18+$0x10] =	vst v2  }
0x3a: {  	v60 =	vld.idx.msk [tilespmem:v0+s17+$0xFFFFFFF0 ss:$0x1], $0xffff;
	s31 =	sadd.s32 $0x200, s18;
	[tilespmem:s18+$0x20] =	vst v6  }
0x3b: {  	v61 =	vld.idx.msk [tilespmem:v0+s17+$0x0 ss:$0x1], $0xffff;
	[tilespmem:s31+$0x30] =	vst v56  }
0x3c: {  	v62 =	vld.idx.msk [tilespmem:v0+s17+$0x10 ss:$0x1], $0xffff;
	s16 =	sadd.s32 $0x1, s16;
	[tilespmem:s31+$0xFFFFFFC0] =	vst v57  }
0x3d: {  	v63 =	vld.idx.msk [tilespmem:v0+s17+$0x20 ss:$0x1], $0xffff;
	p1 =	sne.s32 s16, $0x4;
	[tilespmem:s31+$0xFFFFFFD0] =	vst v58  }
.Ltmp4:
0x3e: {  	[tilespmem:s31+$0xFFFFFFE0] =	vst v59;
	(pc) =	sbr.rel @p1 .LBB1_3-.Ltmp4, $4  }
0x3f: {  	[tilespmem:s31+$0xFFFFFFF0] =	vst v60  }
0x40: {  	[tilespmem:s31+$0x0] =	vst v61  }
0x41: {  	[tilespmem:s31+$0x10] =	vst v62  }
0x42: {  	s13 =	sadd.s32 $0x80, s13;
	s15 =	sadd.s32 $0x1000, s15;
	[tilespmem:s31+$0x20] =	vst v63  }
.Ltmp5:
0x43: {  	(pc) =	sbr.rel .LBB1_7-.Ltmp5, $4  }
0x44: {  	s12 =	sshll.u32 s12, $0xC;
	s11 =	sshll.u32 s11, $0x4  }
0x45: {  	s11 =	sand.u32 $0x70, s11;
	s12 =	sadd.s32 s2, s12  }
0x46: {  	s11 =	sadd.s32 s11, s12  }
0x47: {  	[hbm4b:s11+s6] =	stream.strided.scatter [tilespmem:s14], [sflag:$0x2], $0x4000, s7, s6, $0x38;
	[tilespmem:$0x10000] =	vst v63  }
.LBB1_8:
0x48: {  	_ =	sfence.sel $0x180000  }
0x49: {  	s2 =	simm.s32 $0x1;
	[bflag:$0x0] =	sbarrier.arrive $0xFFFF  }
0x4a: {  	s31 =	simm.s32 $0x2;
	[sflag:s2] =	ssyncpa.u1 $0x1  }
0x4b: {  	[sflag:s31] =	ssyncpa.u1 $0x1  }
0x4c: {  	p0 =	sne.s32 s1, $0x0;
	_ =	strace $0x90000059  }
0x4d: {  	s0 =	sadd.s32 @!p0 $0x100000, s0;
	[bflag:$0x2] =	sbarrier.arrive $0xFFFF  }
0x4e: {  	[sflag:s0] =	ssyncadd.tile.s32 @!p0 $0x1;
	_ =	shalt  }
.Lfunc_end1:
_tile_overlayer_lowered:
.L_overlay_start_2:
0x4f: {  	(tag) =	ssettag $0x2  }
0x50: {  	s0 =	rddreg [dreg:$0x0];
	s2 =	stileid.u32  }
0x51: {  	s1 =	rddreg [dreg:$0x1];
	p0 =	sne.s32 s2, $0x0  }
0x52: {  	s3 =	rddreg [dreg:$0x2];
	[bflag:$0x3] =	sbarrier.arrive $0xFFFF;
	s2 =	simm.s32 @!p0 $0x1C01  }
0x53: {  	[timem:s3], [sflag:s2] =	dma.local @!p0 [hbm:s0], s1  }
0x54: {  	s0 =	simm.s32 @!p0 $0x1  }
0x55: {  	_ =	swait.ge @!p0 [sflag:s0], s1  }
0x56: {  	s1 =	ssub.s32 @!p0 $0x0, s1;
	[sflag:s0] =	ssyncset.done @!p0 $0x0  }
0x57: {  	[sflag:s0] =	ssyncadd.s32 @!p0 s1  }
0x58: {  	[bflag:$0x3] =	sbarrier.arrive $0xFFFF  }
0x59: {  	_ =	shalt  }

</sc_bundles>
